<compile_context>
chip_gen: v7x
topology: tpu7x:2x2x1
jax: 0.10.2.dev20260603
libtpu: 0.0.44.dev20260713+nightly
codegen_flags: <defaults>
</compile_context>

<pallas_src>
import functools

import jax
import jax.numpy as jnp
import numpy as np
from jax import lax
from jax.experimental import pallas as pl
from jax.experimental.pallas import tpu as pltpu
from jax.experimental.pallas import tpu_sc as plsc

_B, _T = 1024, 200
_V, _E, _H, _C = 30522, 128, 256, 2
_N = _B * _T
_S = 5
_CH = 128
_BF = jnp.bfloat16


def _emb_gather(table, idx_flat):
    info = plsc.get_sparse_core_info()
    nc, ns = info.num_cores, info.num_subcores
    nw = nc * ns
    rows_per_w = _N // nw
    n_ch = rows_per_w // _CH
    idx3d = idx_flat.reshape(nw, n_ch, _CH)
    mesh = plsc.VectorSubcoreMesh(core_axis_name="c", subcore_axis_name="s")

    @functools.partial(
        pl.kernel,
        mesh=mesh,
        out_type=jax.ShapeDtypeStruct((_N, _E), jnp.float32),
        scratch_types=[
            pltpu.VMEM((n_ch, _CH), jnp.int32),
            pltpu.VMEM((_CH, _E), jnp.float32),
            pltpu.VMEM((_CH, _E), jnp.float32),
            pltpu.SemaphoreType.DMA,
            pltpu.SemaphoreType.DMA,
        ],
    )
    def gather_kernel(table_hbm, idx_hbm, out_hbm, idx_v, buf0, buf1, sem0, sem1):
        wid = lax.axis_index("s") * nc + lax.axis_index("c")
        base_row = wid * rows_per_w
        pltpu.sync_copy(idx_hbm.at[wid], idx_v)

        pltpu.async_copy(table_hbm.at[idx_v.at[0]], buf0, sem0)

        def body(j2, carry):
            j = 2 * j2
            pltpu.async_copy(table_hbm.at[idx_v.at[j + 1]], buf1, sem1)
            pltpu.make_async_copy(
                table_hbm.at[idx_v.at[j]], buf0, sem0).wait()
            pltpu.sync_copy(buf0, out_hbm.at[pl.ds(base_row + j * _CH, _CH)])

            @pl.when(j2 < n_ch // 2 - 1)
            def _fire_next():
                pltpu.async_copy(table_hbm.at[idx_v.at[j + 2]], buf0, sem0)

            pltpu.make_async_copy(
                table_hbm.at[idx_v.at[j + 1]], buf1, sem1).wait()
            pltpu.sync_copy(
                buf1, out_hbm.at[pl.ds(base_row + (j + 1) * _CH, _CH)])
            return carry

        lax.fori_loop(0, n_ch // 2, body, 0)

    return gather_kernel(table, idx3d)


def _gate_step(xh_s, w, b, c_s, x_off):
    gates = jnp.dot(xh_s[...], w[...],
                    preferred_element_type=jnp.float32) + b[...]
    i_g = 0.5 * jnp.tanh(gates[:, 0 * _H:1 * _H]) + 0.5
    f_g = 0.5 * jnp.tanh(gates[:, 1 * _H:2 * _H]) + 0.5
    g_g = jnp.tanh(gates[:, 2 * _H:3 * _H])
    o_g = 0.5 * jnp.tanh(gates[:, 3 * _H:4 * _H]) + 0.5
    c_new = f_g * c_s[...] + i_g * g_g
    h_new = o_g * jnp.tanh(c_new)
    c_s[...] = c_new
    h_bf = h_new.astype(_BF)
    xh_s[:, x_off:] = h_bf
    return h_new, h_bf


def _lstm0_body(xf_ref, xb_ref, wf, bf, wb, bb,
                outf, outb, xhf, cf, xhb, cb):
    t = pl.program_id(0)

    @pl.when(t == 0)
    def _init():
        cf[...] = jnp.zeros_like(cf[...])
        cb[...] = jnp.zeros_like(cb[...])
        xhf[:, _E:] = jnp.zeros((_B, _H), _BF)
        xhb[:, _E:] = jnp.zeros((_B, _H), _BF)

    for s in range(_S):
        xhf[:, :_E] = xf_ref[s].astype(_BF)
        xhb[:, :_E] = xb_ref[_S - 1 - s].astype(_BF)
        _, hf_bf = _gate_step(xhf, wf, bf, cf, _E)
        _, hb_bf = _gate_step(xhb, wb, bb, cb, _E)
        outf[s] = hf_bf
        outb[_S - 1 - s] = hb_bf


def _lstm1_body(oft, obt, ofr, obr, wf, bf, wb, bb, wfc, bfc,
                out, xhf, cf, xhb, cb):
    t = pl.program_id(0)

    @pl.when(t == 0)
    def _init():
        cf[...] = jnp.zeros_like(cf[...])
        cb[...] = jnp.zeros_like(cb[...])
        xhf[:, 2 * _H:] = jnp.zeros((_B, _H), _BF)
        xhb[:, 2 * _H:] = jnp.zeros((_B, _H), _BF)

    for s in range(_S):
        xhf[:, 0 * _H:1 * _H] = oft[s]
        xhf[:, 1 * _H:2 * _H] = obt[s]
        xhb[:, 0 * _H:1 * _H] = ofr[_S - 1 - s]
        xhb[:, 1 * _H:2 * _H] = obr[_S - 1 - s]
        h_f, _ = _gate_step(xhf, wf, bf, cf, 2 * _H)
        h_b, _ = _gate_step(xhb, wb, bb, cb, 2 * _H)

    @pl.when(t == _T // _S - 1)
    def _fc():
        w = wfc[...]
        out[...] = (jnp.dot(h_f, w[:_H], preferred_element_type=jnp.float32)
                    + jnp.dot(h_b, w[_H:], preferred_element_type=jnp.float32)
                    + bfc[...])


def _full_spec(shape):
    nd = len(shape)
    return pl.BlockSpec(shape, lambda t, _nd=nd: (0,) * _nd)


_GATE_SCALE = np.concatenate([
    np.full((_H,), 0.5, np.float32),
    np.full((_H,), 0.5, np.float32),
    np.ones((_H,), np.float32),
    np.full((_H,), 0.5, np.float32),
])


def _lstm_stack(x, p):
    f32 = jnp.float32

    wf0 = (jnp.concatenate([p["W_ih_0_fwd"].T, p["W_hh_0_fwd"].T])
           * _GATE_SCALE).astype(_BF)
    wb0 = (jnp.concatenate([p["W_ih_0_bwd"].T, p["W_hh_0_bwd"].T])
           * _GATE_SCALE).astype(_BF)
    bf0 = ((p["b_ih_0_fwd"] + p["b_hh_0_fwd"]) * _GATE_SCALE).reshape(1, 4 * _H)
    bb0 = ((p["b_ih_0_bwd"] + p["b_hh_0_bwd"]) * _GATE_SCALE).reshape(1, 4 * _H)

    outf0, outb0 = pl.pallas_call(
        _lstm0_body,
        grid=(_T // _S,),
        in_specs=[
            pl.BlockSpec((_S, _B, _E), lambda t: (t, 0, 0)),
            pl.BlockSpec((_S, _B, _E), lambda t: (_T // _S - 1 - t, 0, 0)),
            _full_spec((_E + _H, 4 * _H)),
            _full_spec((1, 4 * _H)),
            _full_spec((_E + _H, 4 * _H)),
            _full_spec((1, 4 * _H)),
        ],
        out_specs=[
            pl.BlockSpec((_S, _B, _H), lambda t: (t, 0, 0)),
            pl.BlockSpec((_S, _B, _H), lambda t: (_T // _S - 1 - t, 0, 0)),
        ],
        out_shape=[
            jax.ShapeDtypeStruct((_T, _B, _H), _BF),
            jax.ShapeDtypeStruct((_T, _B, _H), _BF),
        ],
        scratch_shapes=[
            pltpu.VMEM((_B, _E + _H), _BF),
            pltpu.VMEM((_B, _H), f32),
            pltpu.VMEM((_B, _E + _H), _BF),
            pltpu.VMEM((_B, _H), f32),
        ],
        compiler_params=pltpu.CompilerParams(
            dimension_semantics=("arbitrary",)),
    )(x, x, wf0, bf0, wb0, bb0)

    w1f = (jnp.concatenate([p["W_ih_1_fwd"].T, p["W_hh_1_fwd"].T])
           * _GATE_SCALE).astype(_BF)
    w1b = (jnp.concatenate([p["W_ih_1_bwd"].T, p["W_hh_1_bwd"].T])
           * _GATE_SCALE).astype(_BF)
    b1f = ((p["b_ih_1_fwd"] + p["b_hh_1_fwd"]) * _GATE_SCALE).reshape(1, 4 * _H)
    b1b = ((p["b_ih_1_bwd"] + p["b_hh_1_bwd"]) * _GATE_SCALE).reshape(1, 4 * _H)
    wfc = p["W_fc"].T
    bfc = p["b_fc"].reshape(1, _C)

    logits = pl.pallas_call(
        _lstm1_body,
        grid=(_T // _S,),
        in_specs=[
            pl.BlockSpec((_S, _B, _H), lambda t: (t, 0, 0)),
            pl.BlockSpec((_S, _B, _H), lambda t: (t, 0, 0)),
            pl.BlockSpec((_S, _B, _H), lambda t: (_T // _S - 1 - t, 0, 0)),
            pl.BlockSpec((_S, _B, _H), lambda t: (_T // _S - 1 - t, 0, 0)),
            _full_spec((3 * _H, 4 * _H)),
            _full_spec((1, 4 * _H)),
            _full_spec((3 * _H, 4 * _H)),
            _full_spec((1, 4 * _H)),
            _full_spec((2 * _H, _C)),
            _full_spec((1, _C)),
        ],
        out_specs=pl.BlockSpec((_B, _C), lambda t: (0, 0)),
        out_shape=jax.ShapeDtypeStruct((_B, _C), f32),
        scratch_shapes=[
            pltpu.VMEM((_B, 3 * _H), _BF),
            pltpu.VMEM((_B, _H), f32),
            pltpu.VMEM((_B, 3 * _H), _BF),
            pltpu.VMEM((_B, _H), f32),
        ],
        compiler_params=pltpu.CompilerParams(
            dimension_semantics=("arbitrary",)),
    )(outf0, outb0, outf0, outb0, w1f, b1f, w1b, b1b, wfc, bfc)
    return logits


def kernel(input_ids, table,
           W_ih_0_fwd, W_hh_0_fwd, b_ih_0_fwd, b_hh_0_fwd,
           W_ih_0_bwd, W_hh_0_bwd, b_ih_0_bwd, b_hh_0_bwd,
           W_ih_1_fwd, W_hh_1_fwd, b_ih_1_fwd, b_hh_1_fwd,
           W_ih_1_bwd, W_hh_1_bwd, b_ih_1_bwd, b_hh_1_bwd,
           W_fc, b_fc):
    p = dict(locals())
    input_ids = p.pop("input_ids")
    idx_flat = input_ids.T.reshape(_N).astype(jnp.int32)
    x_flat = _emb_gather(p["table"], idx_flat)
    x = x_flat.reshape(_T, _B, _E)
    return _lstm_stack(x, p)

# --- scband reference (transcript-rebuilt; emitter-appended) ---
"""Pipeline reference for scband-lstmclassifier-31026843746502 (READ-ONLY COPY).

The authoritative reference and input builder live on the scoring server;
editing this copy changes nothing except your own understanding.
"""

import jax, jax.numpy as jnp
import numpy as np

B, T = 1024, 200
V, E, H, L, C = 30522, 128, 256, 2, 2


def setup_inputs(seed: int = 0) -> dict:
    key = jax.random.key(seed)
    ks = jax.random.split(key, 40)
    inp = {}
    inp["input_ids"] = jax.random.randint(ks[0], (B, T), 0, V)
    table = jax.random.normal(ks[1], (V, E), dtype=jnp.float32) * 0.05
    table = table.at[0].set(0.0)  # padding_idx=0
    inp["table"] = table
    i = 2
    for layer in range(L):
        in_dim = E if layer == 0 else 2 * H
        for d in ("fwd", "bwd"):
            inp[f"W_ih_{layer}_{d}"] = jax.random.normal(ks[i], (4 * H, in_dim), dtype=jnp.float32) * 0.05; i += 1
            inp[f"W_hh_{layer}_{d}"] = jax.random.normal(ks[i], (4 * H, H), dtype=jnp.float32) * 0.05; i += 1
            inp[f"b_ih_{layer}_{d}"] = jax.random.normal(ks[i], (4 * H,), dtype=jnp.float32) * 0.05; i += 1
            inp[f"b_hh_{layer}_{d}"] = jax.random.normal(ks[i], (4 * H,), dtype=jnp.float32) * 0.05; i += 1
    inp["W_fc"] = jax.random.normal(ks[i], (C, 2 * H), dtype=jnp.float32) * 0.05; i += 1
    inp["b_fc"] = jax.random.normal(ks[i], (C,), dtype=jnp.float32) * 0.05
    return inp


def _lstm_dir(x, W_ih, W_hh, b_ih, b_hh, reverse):
    Bc = x.shape[0]
    h0 = jnp.zeros((Bc, H), dtype=x.dtype)
    c0 = jnp.zeros((Bc, H), dtype=x.dtype)
    xs = jnp.swapaxes(x, 0, 1)  # [T, B, D]
    def step(carry, x_t):
        h, c = carry
        gates = x_t @ W_ih.T + h @ W_hh.T + b_ih + b_hh
        i_g, f_g, g_g, o_g = jnp.split(gates, 4, axis=-1)
        i_g = jax.nn.sigmoid(i_g)
        f_g = jax.nn.sigmoid(f_g)
        g_g = jnp.tanh(g_g)
        o_g = jax.nn.sigmoid(o_g)
        c_new = f_g * c + i_g * g_g
        h_new = o_g * jnp.tanh(c_new)
        return (h_new, c_new), h_new
    (h_f, _), ys = jax.lax.scan(step, (h0, c0), xs, reverse=reverse)
    return jnp.swapaxes(ys, 0, 1), h_f


def _forward(input_ids, p):
    # embedding lookup (padding row 0 is zero); dropout is identity in eval mode
    x = jnp.take(p["table"], input_ids, axis=0)
    h_fwd = h_bwd = None
    for layer in range(L):
        out_f, h_fwd = _lstm_dir(x, p[f"W_ih_{layer}_fwd"], p[f"W_hh_{layer}_fwd"], p[f"b_ih_{layer}_fwd"], p[f"b_hh_{layer}_fwd"], False)
        out_b, h_bwd = _lstm_dir(x, p[f"W_ih_{layer}_bwd"], p[f"W_hh_{layer}_bwd"], p[f"b_ih_{layer}_bwd"], p[f"b_hh_{layer}_bwd"], True)
        x = jnp.concatenate([out_f, out_b], axis=-1)
    combined = jnp.concatenate([h_fwd, h_bwd], axis=1)  # h_n[-2], h_n[-1]
    return combined @ p["W_fc"].T + p["b_fc"]


def reference(input_ids, table,
              W_ih_0_fwd, W_hh_0_fwd, b_ih_0_fwd, b_hh_0_fwd,
              W_ih_0_bwd, W_hh_0_bwd, b_ih_0_bwd, b_hh_0_bwd,
              W_ih_1_fwd, W_hh_1_fwd, b_ih_1_fwd, b_hh_1_fwd,
              W_ih_1_bwd, W_hh_1_bwd, b_ih_1_bwd, b_hh_1_bwd,
              W_fc, b_fc):
    p = dict(locals())
    input_ids = p.pop("input_ids")
    return _forward(input_ids, p)

if __name__ == "__main__":
    import jax
    _d = setup_inputs()
    print(jax.jit(kernel)(*tuple(_d.values())))

</pallas_src>

<mosaic_0001>
#map = affine_map<(d0, d1) -> (0, 0)>
#map1 = affine_map<(d0, d1) -> (0, 0, 0)>
module attributes {stable_mosaic.version = 14 : i64} {
  func.func @gather_kernel(%arg0: i32, %arg1: i32, %arg2: memref<30522x128xf32, #tpu.memory_space<hbm>>, %arg3: memref<32x50x128xi32, #tpu.memory_space<hbm>>, %arg4: memref<204800x128xf32, #tpu.memory_space<hbm>>, %arg5: memref<50x128xi32, #tpu.memory_space<vmem>>, %arg6: memref<128x128xf32, #tpu.memory_space<vmem>>, %arg7: memref<128x128xf32, #tpu.memory_space<vmem>>, %arg8: memref<!tpu.dma_semaphore, #tpu.memory_space<semaphore_mem>>, %arg9: memref<!tpu.dma_semaphore, #tpu.memory_space<semaphore_mem>>) attributes {dimension_semantics = [#tpu.dimension_semantics<core_parallel>, #tpu.dimension_semantics<subcore_parallel>], iteration_bounds = array<i64: 2, 16>, scalar_prefetch = 0 : i64, scratch_operands = 5 : i64, tpu.core_type = #tpu.core_type<sc_vector_subcore>, window_params = [{transform_indices = #map}, {transform_indices = #map1}, {transform_indices = #map}]} {
    %mul3A = arith.constant 2 : i32
    %mul3A_0 = arith.muli %arg1, %mul3A : i32
    %add3A = arith.addi %mul3A_0, %arg0 : i32
    %mul3A_1 = arith.constant 6400 : i32
    %mul3A_2 = arith.muli %add3A, %mul3A_1 : i32
    "tpu.region"() ({
      %run_scoped3A = tpu.sem_alloc : memref<!tpu.dma_semaphore, #tpu.memory_space<semaphore_mem>>
      %dma_start3A_14 = arith.constant 0 : i32
      %dma_start3A_15 = arith.constant 0 : i32
      %dma_start3A_16 = tpu.memref_slice %arg3[%add3A, %dma_start3A_14, %dma_start3A_15] : memref<32x50x128xi32, #tpu.memory_space<hbm>> -> memref<1x50x128xi32, #tpu.memory_space<hbm>>
      %dma_start3A_17 = tpu.memref_squeeze %dma_start3A_16 : memref<1x50x128xi32, #tpu.memory_space<hbm>> -> memref<50x128xi32, #tpu.memory_space<hbm>>
      %dma_start3A_18 = arith.constant 0 : i32
      %dma_start3A_19 = arith.constant 0 : i32
      %dma_start3A_20 = tpu.memref_slice %arg3[%add3A, %dma_start3A_18, %dma_start3A_19] : memref<32x50x128xi32, #tpu.memory_space<hbm>> -> memref<1x50x128xi32, #tpu.memory_space<hbm>>
      %dma_start3A_21 = tpu.memref_squeeze %dma_start3A_20 : memref<1x50x128xi32, #tpu.memory_space<hbm>> -> memref<50x128xi32, #tpu.memory_space<hbm>>
      tpu.enqueue_dma source(%dma_start3A_21 : memref<50x128xi32, #tpu.memory_space<hbm>>) target(%arg5 : memref<50x128xi32, #tpu.memory_space<vmem>>) target_semaphore(%run_scoped3A : memref<!tpu.dma_semaphore, #tpu.memory_space<semaphore_mem>>)
      %dma_wait3A = arith.constant 0 : i32
      %dma_wait3A_22 = arith.constant 0 : i32
      %dma_wait3A_23 = tpu.memref_slice %arg3[%add3A, %dma_wait3A, %dma_wait3A_22] : memref<32x50x128xi32, #tpu.memory_space<hbm>> -> memref<1x50x128xi32, #tpu.memory_space<hbm>>
      %dma_wait3A_24 = tpu.memref_squeeze %dma_wait3A_23 : memref<1x50x128xi32, #tpu.memory_space<hbm>> -> memref<50x128xi32, #tpu.memory_space<hbm>>
      %dma_wait3A_25 = arith.constant 0 : i32
      %dma_wait3A_26 = arith.constant 0 : i32
      %dma_wait3A_27 = tpu.memref_slice %arg3[%add3A, %dma_wait3A_25, %dma_wait3A_26] : memref<32x50x128xi32, #tpu.memory_space<hbm>> -> memref<1x50x128xi32, #tpu.memory_space<hbm>>
      %dma_wait3A_28 = tpu.memref_squeeze %dma_wait3A_27 : memref<1x50x128xi32, #tpu.memory_space<hbm>> -> memref<50x128xi32, #tpu.memory_space<hbm>>
      tpu.wait_dma2 semaphore(%run_scoped3A : memref<!tpu.dma_semaphore, #tpu.memory_space<semaphore_mem>>) src(%dma_wait3A_28 : memref<50x128xi32, #tpu.memory_space<hbm>>) dst(%arg5 : memref<50x128xi32, #tpu.memory_space<vmem>>)
      tpu.yield
    }) : () -> ()
    %dma_start3A = arith.constant 0 : i32
    %dma_start3A_3 = arith.constant 0 : i32
    %dma_start3A_4 = tpu.memref_slice %arg5[%dma_start3A, %dma_start3A_3] : memref<50x128xi32, #tpu.memory_space<vmem>> -> memref<1x128xi32, #tpu.memory_space<vmem>>
    %dma_start3A_5 = tpu.memref_squeeze %dma_start3A_4 : memref<1x128xi32, #tpu.memory_space<vmem>> -> memref<128xi32, #tpu.memory_space<vmem>>
    %dma_start3A_6 = arith.constant 0 : i32
    %dma_start3A_7 = arith.constant 0 : i32
    %dma_start3A_8 = tpu.memref_slice %arg2[%dma_start3A_6, %dma_start3A_7] : memref<30522x128xf32, #tpu.memory_space<hbm>> -> memref<30522x128xf32, #tpu.memory_space<hbm>>
    tpu.enqueue_indirect_dma source(%dma_start3A_8 : memref<30522x128xf32, #tpu.memory_space<hbm>>) target(%arg6 : memref<128x128xf32, #tpu.memory_space<vmem>>) offsets(%dma_start3A_5 : memref<128xi32, #tpu.memory_space<vmem>>) semaphore(%arg8 : memref<!tpu.dma_semaphore, #tpu.memory_space<semaphore_mem>>)
    %scan3A = arith.constant 0 : i32
    %scan3A_9 = arith.constant 0 : i32
    %scan3A_10 = arith.constant 25 : i32
    %scan3A_11 = arith.addi %scan3A_9, %scan3A_10 : i32
    %scan3A_12 = arith.constant 1 : i32
    scf.for %scan3A_14 = %scan3A_9 to %scan3A_11 step %scan3A_12  : i32 {
      %mul3A_15 = arith.constant 2 : i32
      %mul3A_16 = arith.muli %mul3A_15, %scan3A_14 : i32
      %add3A_17 = arith.constant 1 : i32
      %add3A_18 = arith.addi %mul3A_16, %add3A_17 : i32
      %dma_start3A_19 = arith.constant 0 : i32
      %dma_start3A_20 = tpu.memref_slice %arg5[%add3A_18, %dma_start3A_19] : memref<50x128xi32, #tpu.memory_space<vmem>> -> memref<1x128xi32, #tpu.memory_space<vmem>>
      %dma_start3A_21 = tpu.memref_squeeze %dma_start3A_20 : memref<1x128xi32, #tpu.memory_space<vmem>> -> memref<128xi32, #tpu.memory_space<vmem>>
      %dma_start3A_22 = arith.constant 0 : i32
      %dma_start3A_23 = arith.constant 0 : i32
      %dma_start3A_24 = tpu.memref_slice %arg2[%dma_start3A_22, %dma_start3A_23] : memref<30522x128xf32, #tpu.memory_space<hbm>> -> memref<30522x128xf32, #tpu.memory_space<hbm>>
      tpu.enqueue_indirect_dma source(%dma_start3A_24 : memref<30522x128xf32, #tpu.memory_space<hbm>>) target(%arg7 : memref<128x128xf32, #tpu.memory_space<vmem>>) offsets(%dma_start3A_21 : memref<128xi32, #tpu.memory_space<vmem>>) semaphore(%arg9 : memref<!tpu.dma_semaphore, #tpu.memory_space<semaphore_mem>>)
      %dma_wait3A = arith.constant 0 : i32
      %dma_wait3A_25 = tpu.memref_slice %arg5[%mul3A_16, %dma_wait3A] : memref<50x128xi32, #tpu.memory_space<vmem>> -> memref<1x128xi32, #tpu.memory_space<vmem>>
      %dma_wait3A_26 = tpu.memref_squeeze %dma_wait3A_25 : memref<1x128xi32, #tpu.memory_space<vmem>> -> memref<128xi32, #tpu.memory_space<vmem>>
      %dma_wait3A_27 = arith.constant 0 : i32
      %dma_wait3A_28 = arith.constant 0 : i32
      %dma_wait3A_29 = tpu.memref_slice %arg2[%dma_wait3A_27, %dma_wait3A_28] : memref<30522x128xf32, #tpu.memory_space<hbm>> -> memref<30522x128xf32, #tpu.memory_space<hbm>>
      tpu.wait_indirect_dma semaphore(%arg8 : memref<!tpu.dma_semaphore, #tpu.memory_space<semaphore_mem>>) src(%dma_wait3A_29 : memref<30522x128xf32, #tpu.memory_space<hbm>>) dst(%arg6 : memref<128x128xf32, #tpu.memory_space<vmem>>)
      %mul3A_30 = arith.constant 128 : i32
      %mul3A_31 = arith.muli %mul3A_16, %mul3A_30 : i32
      %add3A_32 = arith.addi %mul3A_2, %mul3A_31 : i32
      "tpu.region"() ({
        %run_scoped3A = tpu.sem_alloc : memref<!tpu.dma_semaphore, #tpu.memory_space<semaphore_mem>>
        %dma_start3A_48 = arith.constant 0 : i32
        %dma_start3A_49 = tpu.memref_slice %arg4[%add3A_32, %dma_start3A_48] : memref<204800x128xf32, #tpu.memory_space<hbm>> -> memref<128x128xf32, #tpu.memory_space<hbm>>
        %dma_start3A_50 = arith.constant 0 : i32
        %dma_start3A_51 = tpu.memref_slice %arg4[%add3A_32, %dma_start3A_50] : memref<204800x128xf32, #tpu.memory_space<hbm>> -> memref<128x128xf32, #tpu.memory_space<hbm>>
        tpu.enqueue_dma source(%arg6 : memref<128x128xf32, #tpu.memory_space<vmem>>) target(%dma_start3A_51 : memref<128x128xf32, #tpu.memory_space<hbm>>) target_semaphore(%run_scoped3A : memref<!tpu.dma_semaphore, #tpu.memory_space<semaphore_mem>>)
        %dma_wait3A_52 = arith.constant 0 : i32
        %dma_wait3A_53 = tpu.memref_slice %arg4[%add3A_32, %dma_wait3A_52] : memref<204800x128xf32, #tpu.memory_space<hbm>> -> memref<128x128xf32, #tpu.memory_space<hbm>>
        %dma_wait3A_54 = arith.constant 0 : i32
        %dma_wait3A_55 = tpu.memref_slice %arg4[%add3A_32, %dma_wait3A_54] : memref<204800x128xf32, #tpu.memory_space<hbm>> -> memref<128x128xf32, #tpu.memory_space<hbm>>
        tpu.wait_dma2 semaphore(%run_scoped3A : memref<!tpu.dma_semaphore, #tpu.memory_space<semaphore_mem>>) src(%arg6 : memref<128x128xf32, #tpu.memory_space<vmem>>) dst(%dma_wait3A_55 : memref<128x128xf32, #tpu.memory_space<hbm>>)
        tpu.yield
      }) : () -> ()
      %lt3A = arith.constant 24 : i32
      %lt3A_33 = arith.cmpi slt, %scan3A_14, %lt3A : i32
      %convert_element_type3A = arith.extui %lt3A_33 : i1 to i32
      %cond3A = arith.constant 0 : i32
      %cond3A_34 = arith.cmpi ne, %convert_element_type3A, %cond3A : i32
      scf.if %cond3A_34 {
        %add3A_48 = arith.constant 2 : i32
        %add3A_49 = arith.addi %mul3A_16, %add3A_48 : i32
        %dma_start3A_50 = arith.constant 0 : i32
        %dma_start3A_51 = tpu.memref_slice %arg5[%add3A_49, %dma_start3A_50] : memref<50x128xi32, #tpu.memory_space<vmem>> -> memref<1x128xi32, #tpu.memory_space<vmem>>
        %dma_start3A_52 = tpu.memref_squeeze %dma_start3A_51 : memref<1x128xi32, #tpu.memory_space<vmem>> -> memref<128xi32, #tpu.memory_space<vmem>>
        %dma_start3A_53 = arith.constant 0 : i32
        %dma_start3A_54 = arith.constant 0 : i32
        %dma_start3A_55 = tpu.memref_slice %arg2[%dma_start3A_53, %dma_start3A_54] : memref<30522x128xf32, #tpu.memory_space<hbm>> -> memref<30522x128xf32, #tpu.memory_space<hbm>>
        tpu.enqueue_indirect_dma source(%dma_start3A_55 : memref<30522x128xf32, #tpu.memory_space<hbm>>) target(%arg6 : memref<128x128xf32, #tpu.memory_space<vmem>>) offsets(%dma_start3A_52 : memref<128xi32, #tpu.memory_space<vmem>>) semaphore(%arg8 : memref<!tpu.dma_semaphore, #tpu.memory_space<semaphore_mem>>)
      } else {
      }
      %add3A_35 = arith.constant 1 : i32
      %add3A_36 = arith.addi %mul3A_16, %add3A_35 : i32
      %dma_wait3A_37 = arith.constant 0 : i32
      %dma_wait3A_38 = tpu.memref_slice %arg5[%add3A_36, %dma_wait3A_37] : memref<50x128xi32, #tpu.memory_space<vmem>> -> memref<1x128xi32, #tpu.memory_space<vmem>>
      %dma_wait3A_39 = tpu.memref_squeeze %dma_wait3A_38 : memref<1x128xi32, #tpu.memory_space<vmem>> -> memref<128xi32, #tpu.memory_space<vmem>>
      %dma_wait3A_40 = arith.constant 0 : i32
      %dma_wait3A_41 = arith.constant 0 : i32
      %dma_wait3A_42 = tpu.memref_slice %arg2[%dma_wait3A_40, %dma_wait3A_41] : memref<30522x128xf32, #tpu.memory_space<hbm>> -> memref<30522x128xf32, #tpu.memory_space<hbm>>
      tpu.wait_indirect_dma semaphore(%arg9 : memref<!tpu.dma_semaphore, #tpu.memory_space<semaphore_mem>>) src(%dma_wait3A_42 : memref<30522x128xf32, #tpu.memory_space<hbm>>) dst(%arg7 : memref<128x128xf32, #tpu.memory_space<vmem>>)
      %add3A_43 = arith.constant 1 : i32
      %add3A_44 = arith.addi %mul3A_16, %add3A_43 : i32
      %mul3A_45 = arith.constant 128 : i32
      %mul3A_46 = arith.muli %add3A_44, %mul3A_45 : i32
      %add3A_47 = arith.addi %mul3A_2, %mul3A_46 : i32
      "tpu.region"() ({
        %run_scoped3A = tpu.sem_alloc : memref<!tpu.dma_semaphore, #tpu.memory_space<semaphore_mem>>
        %dma_start3A_48 = arith.constant 0 : i32
        %dma_start3A_49 = tpu.memref_slice %arg4[%add3A_47, %dma_start3A_48] : memref<204800x128xf32, #tpu.memory_space<hbm>> -> memref<128x128xf32, #tpu.memory_space<hbm>>
        %dma_start3A_50 = arith.constant 0 : i32
        %dma_start3A_51 = tpu.memref_slice %arg4[%add3A_47, %dma_start3A_50] : memref<204800x128xf32, #tpu.memory_space<hbm>> -> memref<128x128xf32, #tpu.memory_space<hbm>>
        tpu.enqueue_dma source(%arg7 : memref<128x128xf32, #tpu.memory_space<vmem>>) target(%dma_start3A_51 : memref<128x128xf32, #tpu.memory_space<hbm>>) target_semaphore(%run_scoped3A : memref<!tpu.dma_semaphore, #tpu.memory_space<semaphore_mem>>)
        %dma_wait3A_52 = arith.constant 0 : i32
        %dma_wait3A_53 = tpu.memref_slice %arg4[%add3A_47, %dma_wait3A_52] : memref<204800x128xf32, #tpu.memory_space<hbm>> -> memref<128x128xf32, #tpu.memory_space<hbm>>
        %dma_wait3A_54 = arith.constant 0 : i32
        %dma_wait3A_55 = tpu.memref_slice %arg4[%add3A_47, %dma_wait3A_54] : memref<204800x128xf32, #tpu.memory_space<hbm>> -> memref<128x128xf32, #tpu.memory_space<hbm>>
        tpu.wait_dma2 semaphore(%run_scoped3A : memref<!tpu.dma_semaphore, #tpu.memory_space<semaphore_mem>>) src(%arg7 : memref<128x128xf32, #tpu.memory_space<vmem>>) dst(%dma_wait3A_55 : memref<128x128xf32, #tpu.memory_space<hbm>>)
        tpu.yield
      }) : () -> ()
    }
    %scan3A_13 = arith.constant 25 : i32
    return
  }
}

module attributes {stable_mosaic.version = 14 : i64} {
  func.func @_lstm0_body(%arg0: i32, %arg1: memref<5x1024x128xf32, #tpu.memory_space<vmem>>, %arg2: memref<5x1024x128xf32, #tpu.memory_space<vmem>>, %arg3: memref<384x1024xbf16, #tpu.memory_space<vmem>>, %arg4: memref<1x1024xf32, #tpu.memory_space<vmem>>, %arg5: memref<384x1024xbf16, #tpu.memory_space<vmem>>, %arg6: memref<1x1024xf32, #tpu.memory_space<vmem>>, %arg7: memref<5x1024x256xbf16, #tpu.memory_space<vmem>>, %arg8: memref<5x1024x256xbf16, #tpu.memory_space<vmem>>, %arg9: memref<1024x384xbf16, #tpu.memory_space<vmem>>, %arg10: memref<1024x256xf32, #tpu.memory_space<vmem>>, %arg11: memref<1024x384xbf16, #tpu.memory_space<vmem>>, %arg12: memref<1024x256xf32, #tpu.memory_space<vmem>>) attributes {dimension_semantics = [#tpu.dimension_semantics<arbitrary>], iteration_bounds = array<i64: 40>, scalar_prefetch = 0 : i64, scratch_operands = 4 : i64, tpu.core_type = #tpu.core_type<tc>, window_params = [{transform_indices = @transform_0, window_bounds = array<i64: 5, 1024, 128>}, {transform_indices = @transform_1, window_bounds = array<i64: 5, 1024, 128>}, {pipeline_mode = #tpu.pipeline_mode<synchronous>, transform_indices = @transform_2, window_bounds = array<i64: 384, 1024>}, {pipeline_mode = #tpu.pipeline_mode<synchronous>, transform_indices = @transform_3, window_bounds = array<i64: 1, 1024>}, {pipeline_mode = #tpu.pipeline_mode<synchronous>, transform_indices = @transform_4, window_bounds = array<i64: 384, 1024>}, {pipeline_mode = #tpu.pipeline_mode<synchronous>, transform_indices = @transform_5, window_bounds = array<i64: 1, 1024>}, {transform_indices = @transform_6, window_bounds = array<i64: 5, 1024, 256>}, {transform_indices = @transform_7, window_bounds = array<i64: 5, 1024, 256>}]} {
    %eq3A = arith.constant 0 : i32
    %eq3A_0 = arith.cmpi eq, %arg0, %eq3A : i32
    %convert_element_type3A = arith.extui %eq3A_0 : i1 to i32
    %cond3A = arith.constant 0 : i32
    %cond3A_1 = arith.cmpi ne, %convert_element_type3A, %cond3A : i32
    scf.if %cond3A_1 {
      %broadcast_in_dim3A = arith.constant 0.000000e+00 : f32
      %broadcast_in_dim3A_685 = vector.broadcast %broadcast_in_dim3A : f32 to vector<1024x256xf32>
      %swap3A_686 = arith.constant 0 : index
      %swap3A_687 = arith.constant 0 : index
      %swap3A_688 = vector.load %arg10[%swap3A_686, %swap3A_687] : memref<1024x256xf32, #tpu.memory_space<vmem>>, vector<1024x256xf32>
      tpu.vector_store %arg10[%swap3A_686, %swap3A_687], %broadcast_in_dim3A_685 {strides = array<i32>} : memref<1024x256xf32, #tpu.memory_space<vmem>>, vector<1024x256xf32>,
      %broadcast_in_dim3A_689 = arith.constant 0.000000e+00 : f32
      %broadcast_in_dim3A_690 = vector.broadcast %broadcast_in_dim3A_689 : f32 to vector<1024x256xf32>
      %swap3A_691 = arith.constant 0 : index
      %swap3A_692 = arith.constant 0 : index
      %swap3A_693 = vector.load %arg12[%swap3A_691, %swap3A_692] : memref<1024x256xf32, #tpu.memory_space<vmem>>, vector<1024x256xf32>
      tpu.vector_store %arg12[%swap3A_691, %swap3A_692], %broadcast_in_dim3A_690 {strides = array<i32>} : memref<1024x256xf32, #tpu.memory_space<vmem>>, vector<1024x256xf32>,
      %broadcast_in_dim3A_694 = arith.constant 0.000000e+00 : bf16
      %broadcast_in_dim3A_695 = vector.broadcast %broadcast_in_dim3A_694 : bf16 to vector<1024x256xbf16>
      %swap3A_696 = arith.constant 0 : index
      %swap3A_697 = arith.constant 128 : index
      %swap3A_698 = vector.load %arg9[%swap3A_696, %swap3A_697] : memref<1024x384xbf16, #tpu.memory_space<vmem>>, vector<1024x256xbf16>
      tpu.vector_store %arg9[%swap3A_696, %swap3A_697], %broadcast_in_dim3A_695 {strides = array<i32>} : memref<1024x384xbf16, #tpu.memory_space<vmem>>, vector<1024x256xbf16>,
      %broadcast_in_dim3A_699 = arith.constant 0.000000e+00 : bf16
      %broadcast_in_dim3A_700 = vector.broadcast %broadcast_in_dim3A_699 : bf16 to vector<1024x256xbf16>
      %swap3A_701 = arith.constant 0 : index
      %swap3A_702 = arith.constant 128 : index
      %swap3A_703 = vector.load %arg11[%swap3A_701, %swap3A_702] : memref<1024x384xbf16, #tpu.memory_space<vmem>>, vector<1024x256xbf16>
      tpu.vector_store %arg11[%swap3A_701, %swap3A_702], %broadcast_in_dim3A_700 {strides = array<i32>} : memref<1024x384xbf16, #tpu.memory_space<vmem>>, vector<1024x256xbf16>,
    } else {
    }
    %get3A = arith.constant 0 : index
    %get3A_2 = arith.constant 0 : index
    %get3A_3 = arith.constant 0 : index
    %get3A_4 = vector.load %arg1[%get3A, %get3A_2, %get3A_3] : memref<5x1024x128xf32, #tpu.memory_space<vmem>>, vector<1x1024x128xf32>
    %get3A_5 = vector.shape_cast %get3A_4 : vector<1x1024x128xf32> to vector<1024x128xf32>
    %convert_element_type3A_6 = arith.truncf %get3A_5 : vector<1024x128xf32> to vector<1024x128xbf16>
    %swap3A = arith.constant 0 : index
    %swap3A_7 = arith.constant 0 : index
    %swap3A_8 = vector.load %arg9[%swap3A, %swap3A_7] : memref<1024x384xbf16, #tpu.memory_space<vmem>>, vector<1024x128xbf16>
    tpu.vector_store %arg9[%swap3A, %swap3A_7], %convert_element_type3A_6 {strides = array<i32>} : memref<1024x384xbf16, #tpu.memory_space<vmem>>, vector<1024x128xbf16>,
    %get3A_9 = arith.constant 4 : index
    %get3A_10 = arith.constant 0 : index
    %get3A_11 = arith.constant 0 : index
    %get3A_12 = vector.load %arg2[%get3A_9, %get3A_10, %get3A_11] : memref<5x1024x128xf32, #tpu.memory_space<vmem>>, vector<1x1024x128xf32>
    %get3A_13 = vector.shape_cast %get3A_12 : vector<1x1024x128xf32> to vector<1024x128xf32>
    %convert_element_type3A_14 = arith.truncf %get3A_13 : vector<1024x128xf32> to vector<1024x128xbf16>
    %swap3A_15 = arith.constant 0 : index
    %swap3A_16 = arith.constant 0 : index
    %swap3A_17 = vector.load %arg11[%swap3A_15, %swap3A_16] : memref<1024x384xbf16, #tpu.memory_space<vmem>>, vector<1024x128xbf16>
    tpu.vector_store %arg11[%swap3A_15, %swap3A_16], %convert_element_type3A_14 {strides = array<i32>} : memref<1024x384xbf16, #tpu.memory_space<vmem>>, vector<1024x128xbf16>,
    %get3A_18 = arith.constant 0 : index
    %get3A_19 = arith.constant 0 : index
    %get3A_20 = vector.load %arg9[%get3A_18, %get3A_19] : memref<1024x384xbf16, #tpu.memory_space<vmem>>, vector<1024x384xbf16>
    %get3A_21 = arith.constant 0 : index
    %get3A_22 = arith.constant 0 : index
    %get3A_23 = vector.load %arg3[%get3A_21, %get3A_22] : memref<384x1024xbf16, #tpu.memory_space<vmem>>, vector<384x1024xbf16>
    %dot_general3A = arith.constant dense<0.000000e+00> : vector<1024x1024xf32>
    %dot_general3A_24 = tpu.matmul %get3A_20, %get3A_23, %dot_general3A {dimension_numbers = #tpu.dot_dimension_numbers<[1], [0], [0], [1], [0, 0, 1, 1], [], []>, transpose_lhs_hint = false} : vector<1024x384xbf16>, vector<384x1024xbf16>, vector<1024x1024xf32> -> vector<1024x1024xf32>
    %get3A_25 = arith.constant 0 : index
    %get3A_26 = arith.constant 0 : index
    %get3A_27 = vector.load %arg4[%get3A_25, %get3A_26] : memref<1x1024xf32, #tpu.memory_space<vmem>>, vector<1x1024xf32>
    %add3A = vector.broadcast %get3A_27 : vector<1x1024xf32> to vector<1024x1024xf32>
    %add3A_28 = arith.addf %dot_general3A_24, %add3A : vector<1024x1024xf32>
    %slice3A = vector.extract_strided_slice %add3A_28 {offsets = [0, 0], sizes = [1024, 256], strides = [1, 1]} : vector<1024x1024xf32> to vector<1024x256xf32>
    %tanh3A = math.tanh %slice3A : vector<1024x256xf32>
    %mul3A = arith.constant 5.000000e-01 : f32
    %mul3A_29 = vector.broadcast %mul3A : f32 to vector<1024x256xf32>
    %mul3A_30 = arith.mulf %mul3A_29, %tanh3A : vector<1024x256xf32>
    %add3A_31 = arith.constant 5.000000e-01 : f32
    %add3A_32 = vector.broadcast %add3A_31 : f32 to vector<1024x256xf32>
    %add3A_33 = arith.addf %mul3A_30, %add3A_32 : vector<1024x256xf32>
    %slice3A_34 = vector.extract_strided_slice %add3A_28 {offsets = [0, 256], sizes = [1024, 256], strides = [1, 1]} : vector<1024x1024xf32> to vector<1024x256xf32>
    %tanh3A_35 = math.tanh %slice3A_34 : vector<1024x256xf32>
    %mul3A_36 = arith.constant 5.000000e-01 : f32
    %mul3A_37 = vector.broadcast %mul3A_36 : f32 to vector<1024x256xf32>
    %mul3A_38 = arith.mulf %mul3A_37, %tanh3A_35 : vector<1024x256xf32>
    %add3A_39 = arith.constant 5.000000e-01 : f32
    %add3A_40 = vector.broadcast %add3A_39 : f32 to vector<1024x256xf32>
    %add3A_41 = arith.addf %mul3A_38, %add3A_40 : vector<1024x256xf32>
    %slice3A_42 = vector.extract_strided_slice %add3A_28 {offsets = [0, 512], sizes = [1024, 256], strides = [1, 1]} : vector<1024x1024xf32> to vector<1024x256xf32>
    %tanh3A_43 = math.tanh %slice3A_42 : vector<1024x256xf32>
    %slice3A_44 = vector.extract_strided_slice %add3A_28 {offsets = [0, 768], sizes = [1024, 256], strides = [1, 1]} : vector<1024x1024xf32> to vector<1024x256xf32>
    %tanh3A_45 = math.tanh %slice3A_44 : vector<1024x256xf32>
    %mul3A_46 = arith.constant 5.000000e-01 : f32
    %mul3A_47 = vector.broadcast %mul3A_46 : f32 to vector<1024x256xf32>
    %mul3A_48 = arith.mulf %mul3A_47, %tanh3A_45 : vector<1024x256xf32>
    %add3A_49 = arith.constant 5.000000e-01 : f32
    %add3A_50 = vector.broadcast %add3A_49 : f32 to vector<1024x256xf32>
    %add3A_51 = arith.addf %mul3A_48, %add3A_50 : vector<1024x256xf32>
    %get3A_52 = arith.constant 0 : index
    %get3A_53 = arith.constant 0 : index
    %get3A_54 = vector.load %arg10[%get3A_52, %get3A_53] : memref<1024x256xf32, #tpu.memory_space<vmem>>, vector<1024x256xf32>
    %mul3A_55 = arith.mulf %add3A_41, %get3A_54 : vector<1024x256xf32>
    %mul3A_56 = arith.mulf %add3A_33, %tanh3A_43 : vector<1024x256xf32>
    %add3A_57 = arith.addf %mul3A_55, %mul3A_56 : vector<1024x256xf32>
    %tanh3A_58 = math.tanh %add3A_57 : vector<1024x256xf32>
    %mul3A_59 = arith.mulf %add3A_51, %tanh3A_58 : vector<1024x256xf32>
    %swap3A_60 = arith.constant 0 : index
    %swap3A_61 = arith.constant 0 : index
    %swap3A_62 = vector.load %arg10[%swap3A_60, %swap3A_61] : memref<1024x256xf32, #tpu.memory_space<vmem>>, vector<1024x256xf32>
    tpu.vector_store %arg10[%swap3A_60, %swap3A_61], %add3A_57 {strides = array<i32>} : memref<1024x256xf32, #tpu.memory_space<vmem>>, vector<1024x256xf32>,
    %convert_element_type3A_63 = arith.truncf %mul3A_59 : vector<1024x256xf32> to vector<1024x256xbf16>
    %swap3A_64 = arith.constant 0 : index
    %swap3A_65 = arith.constant 128 : index
    %swap3A_66 = vector.load %arg9[%swap3A_64, %swap3A_65] : memref<1024x384xbf16, #tpu.memory_space<vmem>>, vector<1024x256xbf16>
    tpu.vector_store %arg9[%swap3A_64, %swap3A_65], %convert_element_type3A_63 {strides = array<i32>} : memref<1024x384xbf16, #tpu.memory_space<vmem>>, vector<1024x256xbf16>,
    %get3A_67 = arith.constant 0 : index
    %get3A_68 = arith.constant 0 : index
    %get3A_69 = vector.load %arg11[%get3A_67, %get3A_68] : memref<1024x384xbf16, #tpu.memory_space<vmem>>, vector<1024x384xbf16>
    %get3A_70 = arith.constant 0 : index
    %get3A_71 = arith.constant 0 : index
    %get3A_72 = vector.load %arg5[%get3A_70, %get3A_71] : memref<384x1024xbf16, #tpu.memory_space<vmem>>, vector<384x1024xbf16>
    %dot_general3A_73 = arith.constant dense<0.000000e+00> : vector<1024x1024xf32>
    %dot_general3A_74 = tpu.matmul %get3A_69, %get3A_72, %dot_general3A_73 {dimension_numbers = #tpu.dot_dimension_numbers<[1], [0], [0], [1], [0, 0, 1, 1], [], []>, transpose_lhs_hint = false} : vector<1024x384xbf16>, vector<384x1024xbf16>, vector<1024x1024xf32> -> vector<1024x1024xf32>
    %get3A_75 = arith.constant 0 : index
    %get3A_76 = arith.constant 0 : index
    %get3A_77 = vector.load %arg6[%get3A_75, %get3A_76] : memref<1x1024xf32, #tpu.memory_space<vmem>>, vector<1x1024xf32>
    %add3A_78 = vector.broadcast %get3A_77 : vector<1x1024xf32> to vector<1024x1024xf32>
    %add3A_79 = arith.addf %dot_general3A_74, %add3A_78 : vector<1024x1024xf32>
    %slice3A_80 = vector.extract_strided_slice %add3A_79 {offsets = [0, 0], sizes = [1024, 256], strides = [1, 1]} : vector<1024x1024xf32> to vector<1024x256xf32>
    %tanh3A_81 = math.tanh %slice3A_80 : vector<1024x256xf32>
    %mul3A_82 = arith.constant 5.000000e-01 : f32
    %mul3A_83 = vector.broadcast %mul3A_82 : f32 to vector<1024x256xf32>
    %mul3A_84 = arith.mulf %mul3A_83, %tanh3A_81 : vector<1024x256xf32>
    %add3A_85 = arith.constant 5.000000e-01 : f32
    %add3A_86 = vector.broadcast %add3A_85 : f32 to vector<1024x256xf32>
    %add3A_87 = arith.addf %mul3A_84, %add3A_86 : vector<1024x256xf32>
    %slice3A_88 = vector.extract_strided_slice %add3A_79 {offsets = [0, 256], sizes = [1024, 256], strides = [1, 1]} : vector<1024x1024xf32> to vector<1024x256xf32>
    %tanh3A_89 = math.tanh %slice3A_88 : vector<1024x256xf32>
    %mul3A_90 = arith.constant 5.000000e-01 : f32
    %mul3A_91 = vector.broadcast %mul3A_90 : f32 to vector<1024x256xf32>
    %mul3A_92 = arith.mulf %mul3A_91, %tanh3A_89 : vector<1024x256xf32>
    %add3A_93 = arith.constant 5.000000e-01 : f32
    %add3A_94 = vector.broadcast %add3A_93 : f32 to vector<1024x256xf32>
    %add3A_95 = arith.addf %mul3A_92, %add3A_94 : vector<1024x256xf32>
    %slice3A_96 = vector.extract_strided_slice %add3A_79 {offsets = [0, 512], sizes = [1024, 256], strides = [1, 1]} : vector<1024x1024xf32> to vector<1024x256xf32>
    %tanh3A_97 = math.tanh %slice3A_96 : vector<1024x256xf32>
    %slice3A_98 = vector.extract_strided_slice %add3A_79 {offsets = [0, 768], sizes = [1024, 256], strides = [1, 1]} : vector<1024x1024xf32> to vector<1024x256xf32>
    %tanh3A_99 = math.tanh %slice3A_98 : vector<1024x256xf32>
    %mul3A_100 = arith.constant 5.000000e-01 : f32
    %mul3A_101 = vector.broadcast %mul3A_100 : f32 to vector<1024x256xf32>
    %mul3A_102 = arith.mulf %mul3A_101, %tanh3A_99 : vector<1024x256xf32>
    %add3A_103 = arith.constant 5.000000e-01 : f32
    %add3A_104 = vector.broadcast %add3A_103 : f32 to vector<1024x256xf32>
    %add3A_105 = arith.addf %mul3A_102, %add3A_104 : vector<1024x256xf32>
    %get3A_106 = arith.constant 0 : index
    %get3A_107 = arith.constant 0 : index
    %get3A_108 = vector.load %arg12[%get3A_106, %get3A_107] : memref<1024x256xf32, #tpu.memory_space<vmem>>, vector<1024x256xf32>
    %mul3A_109 = arith.mulf %add3A_95, %get3A_108 : vector<1024x256xf32>
    %mul3A_110 = arith.mulf %add3A_87, %tanh3A_97 : vector<1024x256xf32>
    %add3A_111 = arith.addf %mul3A_109, %mul3A_110 : vector<1024x256xf32>
    %tanh3A_112 = math.tanh %add3A_111 : vector<1024x256xf32>
    %mul3A_113 = arith.mulf %add3A_105, %tanh3A_112 : vector<1024x256xf32>
    %swap3A_114 = arith.constant 0 : index
    %swap3A_115 = arith.constant 0 : index
    %swap3A_116 = vector.load %arg12[%swap3A_114, %swap3A_115] : memref<1024x256xf32, #tpu.memory_space<vmem>>, vector<1024x256xf32>
    tpu.vector_store %arg12[%swap3A_114, %swap3A_115], %add3A_111 {strides = array<i32>} : memref<1024x256xf32, #tpu.memory_space<vmem>>, vector<1024x256xf32>,
    %convert_element_type3A_117 = arith.truncf %mul3A_113 : vector<1024x256xf32> to vector<1024x256xbf16>
    %swap3A_118 = arith.constant 0 : index
    %swap3A_119 = arith.constant 128 : index
    %swap3A_120 = vector.load %arg11[%swap3A_118, %swap3A_119] : memref<1024x384xbf16, #tpu.memory_space<vmem>>, vector<1024x256xbf16>
    tpu.vector_store %arg11[%swap3A_118, %swap3A_119], %convert_element_type3A_117 {strides = array<i32>} : memref<1024x384xbf16, #tpu.memory_space<vmem>>, vector<1024x256xbf16>,
    %swap3A_121 = arith.constant 0 : index
    %swap3A_122 = arith.constant 0 : index
    %swap3A_123 = arith.constant 0 : index
    %swap3A_124 = vector.load %arg7[%swap3A_121, %swap3A_122, %swap3A_123] : memref<5x1024x256xbf16, #tpu.memory_space<vmem>>, vector<1x1024x256xbf16>
    %swap3A_125 = vector.shape_cast %swap3A_124 : vector<1x1024x256xbf16> to vector<1024x256xbf16>
    %swap3A_126 = vector.shape_cast %convert_element_type3A_63 : vector<1024x256xbf16> to vector<1x1024x256xbf16>
    tpu.vector_store %arg7[%swap3A_121, %swap3A_122, %swap3A_123], %swap3A_126 {strides = array<i32>} : memref<5x1024x256xbf16, #tpu.memory_space<vmem>>, vector<1x1024x256xbf16>,
    %swap3A_127 = arith.constant 4 : index
    %swap3A_128 = arith.constant 0 : index
    %swap3A_129 = arith.constant 0 : index
    %swap3A_130 = vector.load %arg8[%swap3A_127, %swap3A_128, %swap3A_129] : memref<5x1024x256xbf16, #tpu.memory_space<vmem>>, vector<1x1024x256xbf16>
    %swap3A_131 = vector.shape_cast %swap3A_130 : vector<1x1024x256xbf16> to vector<1024x256xbf16>
    %swap3A_132 = vector.shape_cast %convert_element_type3A_117 : vector<1024x256xbf16> to vector<1x1024x256xbf16>
    tpu.vector_store %arg8[%swap3A_127, %swap3A_128, %swap3A_129], %swap3A_132 {strides = array<i32>} : memref<5x1024x256xbf16, #tpu.memory_space<vmem>>, vector<1x1024x256xbf16>,
    %get3A_133 = arith.constant 1 : index
    %get3A_134 = arith.constant 0 : index
    %get3A_135 = arith.constant 0 : index
    %get3A_136 = vector.load %arg1[%get3A_133, %get3A_134, %get3A_135] : memref<5x1024x128xf32, #tpu.memory_space<vmem>>, vector<1x1024x128xf32>
    %get3A_137 = vector.shape_cast %get3A_136 : vector<1x1024x128xf32> to vector<1024x128xf32>
    %convert_element_type3A_138 = arith.truncf %get3A_137 : vector<1024x128xf32> to vector<1024x128xbf16>
    %swap3A_139 = arith.constant 0 : index
    %swap3A_140 = arith.constant 0 : index
    %swap3A_141 = vector.load %arg9[%swap3A_139, %swap3A_140] : memref<1024x384xbf16, #tpu.memory_space<vmem>>, vector<1024x128xbf16>
    tpu.vector_store %arg9[%swap3A_139, %swap3A_140], %convert_element_type3A_138 {strides = array<i32>} : memref<1024x384xbf16, #tpu.memory_space<vmem>>, vector<1024x128xbf16>,
    %get3A_142 = arith.constant 3 : index
    %get3A_143 = arith.constant 0 : index
    %get3A_144 = arith.constant 0 : index
    %get3A_145 = vector.load %arg2[%get3A_142, %get3A_143, %get3A_144] : memref<5x1024x128xf32, #tpu.memory_space<vmem>>, vector<1x1024x128xf32>
    %get3A_146 = vector.shape_cast %get3A_145 : vector<1x1024x128xf32> to vector<1024x128xf32>
    %convert_element_type3A_147 = arith.truncf %get3A_146 : vector<1024x128xf32> to vector<1024x128xbf16>
    %swap3A_148 = arith.constant 0 : index
    %swap3A_149 = arith.constant 0 : index
    %swap3A_150 = vector.load %arg11[%swap3A_148, %swap3A_149] : memref<1024x384xbf16, #tpu.memory_space<vmem>>, vector<1024x128xbf16>
    tpu.vector_store %arg11[%swap3A_148, %swap3A_149], %convert_element_type3A_147 {strides = array<i32>} : memref<1024x384xbf16, #tpu.memory_space<vmem>>, vector<1024x128xbf16>,
    %get3A_151 = arith.constant 0 : index
    %get3A_152 = arith.constant 0 : index
    %get3A_153 = vector.load %arg9[%get3A_151, %get3A_152] : memref<1024x384xbf16, #tpu.memory_space<vmem>>, vector<1024x384xbf16>
    %get3A_154 = arith.constant 0 : index
    %get3A_155 = arith.constant 0 : index
    %get3A_156 = vector.load %arg3[%get3A_154, %get3A_155] : memref<384x1024xbf16, #tpu.memory_space<vmem>>, vector<384x1024xbf16>
    %dot_general3A_157 = arith.constant dense<0.000000e+00> : vector<1024x1024xf32>
    %dot_general3A_158 = tpu.matmul %get3A_153, %get3A_156, %dot_general3A_157 {dimension_numbers = #tpu.dot_dimension_numbers<[1], [0], [0], [1], [0, 0, 1, 1], [], []>, transpose_lhs_hint = false} : vector<1024x384xbf16>, vector<384x1024xbf16>, vector<1024x1024xf32> -> vector<1024x1024xf32>
    %get3A_159 = arith.constant 0 : index
    %get3A_160 = arith.constant 0 : index
    %get3A_161 = vector.load %arg4[%get3A_159, %get3A_160] : memref<1x1024xf32, #tpu.memory_space<vmem>>, vector<1x1024xf32>
    %add3A_162 = vector.broadcast %get3A_161 : vector<1x1024xf32> to vector<1024x1024xf32>
    %add3A_163 = arith.addf %dot_general3A_158, %add3A_162 : vector<1024x1024xf32>
    %slice3A_164 = vector.extract_strided_slice %add3A_163 {offsets = [0, 0], sizes = [1024, 256], strides = [1, 1]} : vector<1024x1024xf32> to vector<1024x256xf32>
    %tanh3A_165 = math.tanh %slice3A_164 : vector<1024x256xf32>
    %mul3A_166 = arith.constant 5.000000e-01 : f32
    %mul3A_167 = vector.broadcast %mul3A_166 : f32 to vector<1024x256xf32>
    %mul3A_168 = arith.mulf %mul3A_167, %tanh3A_165 : vector<1024x256xf32>
    %add3A_169 = arith.constant 5.000000e-01 : f32
    %add3A_170 = vector.broadcast %add3A_169 : f32 to vector<1024x256xf32>
    %add3A_171 = arith.addf %mul3A_168, %add3A_170 : vector<1024x256xf32>
    %slice3A_172 = vector.extract_strided_slice %add3A_163 {offsets = [0, 256], sizes = [1024, 256], strides = [1, 1]} : vector<1024x1024xf32> to vector<1024x256xf32>
    %tanh3A_173 = math.tanh %slice3A_172 : vector<1024x256xf32>
    %mul3A_174 = arith.constant 5.000000e-01 : f32
    %mul3A_175 = vector.broadcast %mul3A_174 : f32 to vector<1024x256xf32>
    %mul3A_176 = arith.mulf %mul3A_175, %tanh3A_173 : vector<1024x256xf32>
    %add3A_177 = arith.constant 5.000000e-01 : f32
    %add3A_178 = vector.broadcast %add3A_177 : f32 to vector<1024x256xf32>
    %add3A_179 = arith.addf %mul3A_176, %add3A_178 : vector<1024x256xf32>
    %slice3A_180 = vector.extract_strided_slice %add3A_163 {offsets = [0, 512], sizes = [1024, 256], strides = [1, 1]} : vector<1024x1024xf32> to vector<1024x256xf32>
    %tanh3A_181 = math.tanh %slice3A_180 : vector<1024x256xf32>
    %slice3A_182 = vector.extract_strided_slice %add3A_163 {offsets = [0, 768], sizes = [1024, 256], strides = [1, 1]} : vector<1024x1024xf32> to vector<1024x256xf32>
    %tanh3A_183 = math.tanh %slice3A_182 : vector<1024x256xf32>
    %mul3A_184 = arith.constant 5.000000e-01 : f32
    %mul3A_185 = vector.broadcast %mul3A_184 : f32 to vector<1024x256xf32>
    %mul3A_186 = arith.mulf %mul3A_185, %tanh3A_183 : vector<1024x256xf32>
    %add3A_187 = arith.constant 5.000000e-01 : f32
    %add3A_188 = vector.broadcast %add3A_187 : f32 to vector<1024x256xf32>
    %add3A_189 = arith.addf %mul3A_186, %add3A_188 : vector<1024x256xf32>
    %get3A_190 = arith.constant 0 : index
    %get3A_191 = arith.constant 0 : index
    %get3A_192 = vector.load %arg10[%get3A_190, %get3A_191] : memref<1024x256xf32, #tpu.memory_space<vmem>>, vector<1024x256xf32>
    %mul3A_193 = arith.mulf %add3A_179, %get3A_192 : vector<1024x256xf32>
    %mul3A_194 = arith.mulf %add3A_171, %tanh3A_181 : vector<1024x256xf32>
    %add3A_195 = arith.addf %mul3A_193, %mul3A_194 : vector<1024x256xf32>
    %tanh3A_196 = math.tanh %add3A_195 : vector<1024x256xf32>
    %mul3A_197 = arith.mulf %add3A_189, %tanh3A_196 : vector<1024x256xf32>
    %swap3A_198 = arith.constant 0 : index
    %swap3A_199 = arith.constant 0 : index
    %swap3A_200 = vector.load %arg10[%swap3A_198, %swap3A_199] : memref<1024x256xf32, #tpu.memory_space<vmem>>, vector<1024x256xf32>
    tpu.vector_store %arg10[%swap3A_198, %swap3A_199], %add3A_195 {strides = array<i32>} : memref<1024x256xf32, #tpu.memory_space<vmem>>, vector<1024x256xf32>,
    %convert_element_type3A_201 = arith.truncf %mul3A_197 : vector<1024x256xf32> to vector<1024x256xbf16>
    %swap3A_202 = arith.constant 0 : index
    %swap3A_203 = arith.constant 128 : index
    %swap3A_204 = vector.load %arg9[%swap3A_202, %swap3A_203] : memref<1024x384xbf16, #tpu.memory_space<vmem>>, vector<1024x256xbf16>
    tpu.vector_store %arg9[%swap3A_202, %swap3A_203], %convert_element_type3A_201 {strides = array<i32>} : memref<1024x384xbf16, #tpu.memory_space<vmem>>, vector<1024x256xbf16>,
    %get3A_205 = arith.constant 0 : index
    %get3A_206 = arith.constant 0 : index
    %get3A_207 = vector.load %arg11[%get3A_205, %get3A_206] : memref<1024x384xbf16, #tpu.memory_space<vmem>>, vector<1024x384xbf16>
    %get3A_208 = arith.constant 0 : index
    %get3A_209 = arith.constant 0 : index
    %get3A_210 = vector.load %arg5[%get3A_208, %get3A_209] : memref<384x1024xbf16, #tpu.memory_space<vmem>>, vector<384x1024xbf16>
    %dot_general3A_211 = arith.constant dense<0.000000e+00> : vector<1024x1024xf32>
    %dot_general3A_212 = tpu.matmul %get3A_207, %get3A_210, %dot_general3A_211 {dimension_numbers = #tpu.dot_dimension_numbers<[1], [0], [0], [1], [0, 0, 1, 1], [], []>, transpose_lhs_hint = false} : vector<1024x384xbf16>, vector<384x1024xbf16>, vector<1024x1024xf32> -> vector<1024x1024xf32>
    %get3A_213 = arith.constant 0 : index
    %get3A_214 = arith.constant 0 : index
    %get3A_215 = vector.load %arg6[%get3A_213, %get3A_214] : memref<1x1024xf32, #tpu.memory_space<vmem>>, vector<1x1024xf32>
    %add3A_216 = vector.broadcast %get3A_215 : vector<1x1024xf32> to vector<1024x1024xf32>
    %add3A_217 = arith.addf %dot_general3A_212, %add3A_216 : vector<1024x1024xf32>
    %slice3A_218 = vector.extract_strided_slice %add3A_217 {offsets = [0, 0], sizes = [1024, 256], strides = [1, 1]} : vector<1024x1024xf32> to vector<1024x256xf32>
    %tanh3A_219 = math.tanh %slice3A_218 : vector<1024x256xf32>
    %mul3A_220 = arith.constant 5.000000e-01 : f32
    %mul3A_221 = vector.broadcast %mul3A_220 : f32 to vector<1024x256xf32>
    %mul3A_222 = arith.mulf %mul3A_221, %tanh3A_219 : vector<1024x256xf32>
    %add3A_223 = arith.constant 5.000000e-01 : f32
    %add3A_224 = vector.broadcast %add3A_223 : f32 to vector<1024x256xf32>
    %add3A_225 = arith.addf %mul3A_222, %add3A_224 : vector<1024x256xf32>
    %slice3A_226 = vector.extract_strided_slice %add3A_217 {offsets = [0, 256], sizes = [1024, 256], strides = [1, 1]} : vector<1024x1024xf32> to vector<1024x256xf32>
    %tanh3A_227 = math.tanh %slice3A_226 : vector<1024x256xf32>
    %mul3A_228 = arith.constant 5.000000e-01 : f32
    %mul3A_229 = vector.broadcast %mul3A_228 : f32 to vector<1024x256xf32>
    %mul3A_230 = arith.mulf %mul3A_229, %tanh3A_227 : vector<1024x256xf32>
    %add3A_231 = arith.constant 5.000000e-01 : f32
    %add3A_232 = vector.broadcast %add3A_231 : f32 to vector<1024x256xf32>
    %add3A_233 = arith.addf %mul3A_230, %add3A_232 : vector<1024x256xf32>
    %slice3A_234 = vector.extract_strided_slice %add3A_217 {offsets = [0, 512], sizes = [1024, 256], strides = [1, 1]} : vector<1024x1024xf32> to vector<1024x256xf32>
    %tanh3A_235 = math.tanh %slice3A_234 : vector<1024x256xf32>
    %slice3A_236 = vector.extract_strided_slice %add3A_217 {offsets = [0, 768], sizes = [1024, 256], strides = [1, 1]} : vector<1024x1024xf32> to vector<1024x256xf32>
    %tanh3A_237 = math.tanh %slice3A_236 : vector<1024x256xf32>
    %mul3A_238 = arith.constant 5.000000e-01 : f32
    %mul3A_239 = vector.broadcast %mul3A_238 : f32 to vector<1024x256xf32>
    %mul3A_240 = arith.mulf %mul3A_239, %tanh3A_237 : vector<1024x256xf32>
    %add3A_241 = arith.constant 5.000000e-01 : f32
    %add3A_242 = vector.broadcast %add3A_241 : f32 to vector<1024x256xf32>
    %add3A_243 = arith.addf %mul3A_240, %add3A_242 : vector<1024x256xf32>
    %get3A_244 = arith.constant 0 : index
    %get3A_245 = arith.constant 0 : index
    %get3A_246 = vector.load %arg12[%get3A_244, %get3A_245] : memref<1024x256xf32, #tpu.memory_space<vmem>>, vector<1024x256xf32>
    %mul3A_247 = arith.mulf %add3A_233, %get3A_246 : vector<1024x256xf32>
    %mul3A_248 = arith.mulf %add3A_225, %tanh3A_235 : vector<1024x256xf32>
    %add3A_249 = arith.addf %mul3A_247, %mul3A_248 : vector<1024x256xf32>
    %tanh3A_250 = math.tanh %add3A_249 : vector<1024x256xf32>
    %mul3A_251 = arith.mulf %add3A_243, %tanh3A_250 : vector<1024x256xf32>
    %swap3A_252 = arith.constant 0 : index
    %swap3A_253 = arith.constant 0 : index
    %swap3A_254 = vector.load %arg12[%swap3A_252, %swap3A_253] : memref<1024x256xf32, #tpu.memory_space<vmem>>, vector<1024x256xf32>
    tpu.vector_store %arg12[%swap3A_252, %swap3A_253], %add3A_249 {strides = array<i32>} : memref<1024x256xf32, #tpu.memory_space<vmem>>, vector<1024x256xf32>,
    %convert_element_type3A_255 = arith.truncf %mul3A_251 : vector<1024x256xf32> to vector<1024x256xbf16>
    %swap3A_256 = arith.constant 0 : index
    %swap3A_257 = arith.constant 128 : index
    %swap3A_258 = vector.load %arg11[%swap3A_256, %swap3A_257] : memref<1024x384xbf16, #tpu.memory_space<vmem>>, vector<1024x256xbf16>
    tpu.vector_store %arg11[%swap3A_256, %swap3A_257], %convert_element_type3A_255 {strides = array<i32>} : memref<1024x384xbf16, #tpu.memory_space<vmem>>, vector<1024x256xbf16>,
    %swap3A_259 = arith.constant 1 : index
    %swap3A_260 = arith.constant 0 : index
    %swap3A_261 = arith.constant 0 : index
    %swap3A_262 = vector.load %arg7[%swap3A_259, %swap3A_260, %swap3A_261] : memref<5x1024x256xbf16, #tpu.memory_space<vmem>>, vector<1x1024x256xbf16>
    %swap3A_263 = vector.shape_cast %swap3A_262 : vector<1x1024x256xbf16> to vector<1024x256xbf16>
    %swap3A_264 = vector.shape_cast %convert_element_type3A_201 : vector<1024x256xbf16> to vector<1x1024x256xbf16>
    tpu.vector_store %arg7[%swap3A_259, %swap3A_260, %swap3A_261], %swap3A_264 {strides = array<i32>} : memref<5x1024x256xbf16, #tpu.memory_space<vmem>>, vector<1x1024x256xbf16>,
    %swap3A_265 = arith.constant 3 : index
    %swap3A_266 = arith.constant 0 : index
    %swap3A_267 = arith.constant 0 : index
    %swap3A_268 = vector.load %arg8[%swap3A_265, %swap3A_266, %swap3A_267] : memref<5x1024x256xbf16, #tpu.memory_space<vmem>>, vector<1x1024x256xbf16>
    %swap3A_269 = vector.shape_cast %swap3A_268 : vector<1x1024x256xbf16> to vector<1024x256xbf16>
    %swap3A_270 = vector.shape_cast %convert_element_type3A_255 : vector<1024x256xbf16> to vector<1x1024x256xbf16>
    tpu.vector_store %arg8[%swap3A_265, %swap3A_266, %swap3A_267], %swap3A_270 {strides = array<i32>} : memref<5x1024x256xbf16, #tpu.memory_space<vmem>>, vector<1x1024x256xbf16>,
    %get3A_271 = arith.constant 2 : index
    %get3A_272 = arith.constant 0 : index
    %get3A_273 = arith.constant 0 : index
    %get3A_274 = vector.load %arg1[%get3A_271, %get3A_272, %get3A_273] : memref<5x1024x128xf32, #tpu.memory_space<vmem>>, vector<1x1024x128xf32>
    %get3A_275 = vector.shape_cast %get3A_274 : vector<1x1024x128xf32> to vector<1024x128xf32>
    %convert_element_type3A_276 = arith.truncf %get3A_275 : vector<1024x128xf32> to vector<1024x128xbf16>
    %swap3A_277 = arith.constant 0 : index
    %swap3A_278 = arith.constant 0 : index
    %swap3A_279 = vector.load %arg9[%swap3A_277, %swap3A_278] : memref<1024x384xbf16, #tpu.memory_space<vmem>>, vector<1024x128xbf16>
    tpu.vector_store %arg9[%swap3A_277, %swap3A_278], %convert_element_type3A_276 {strides = array<i32>} : memref<1024x384xbf16, #tpu.memory_space<vmem>>, vector<1024x128xbf16>,
    %get3A_280 = arith.constant 2 : index
    %get3A_281 = arith.constant 0 : index
    %get3A_282 = arith.constant 0 : index
    %get3A_283 = vector.load %arg2[%get3A_280, %get3A_281, %get3A_282] : memref<5x1024x128xf32, #tpu.memory_space<vmem>>, vector<1x1024x128xf32>
    %get3A_284 = vector.shape_cast %get3A_283 : vector<1x1024x128xf32> to vector<1024x128xf32>
    %convert_element_type3A_285 = arith.truncf %get3A_284 : vector<1024x128xf32> to vector<1024x128xbf16>
    %swap3A_286 = arith.constant 0 : index
    %swap3A_287 = arith.constant 0 : index
    %swap3A_288 = vector.load %arg11[%swap3A_286, %swap3A_287] : memref<1024x384xbf16, #tpu.memory_space<vmem>>, vector<1024x128xbf16>
    tpu.vector_store %arg11[%swap3A_286, %swap3A_287], %convert_element_type3A_285 {strides = array<i32>} : memref<1024x384xbf16, #tpu.memory_space<vmem>>, vector<1024x128xbf16>,
    %get3A_289 = arith.constant 0 : index
    %get3A_290 = arith.constant 0 : index
    %get3A_291 = vector.load %arg9[%get3A_289, %get3A_290] : memref<1024x384xbf16, #tpu.memory_space<vmem>>, vector<1024x384xbf16>
    %get3A_292 = arith.constant 0 : index
    %get3A_293 = arith.constant 0 : index
    %get3A_294 = vector.load %arg3[%get3A_292, %get3A_293] : memref<384x1024xbf16, #tpu.memory_space<vmem>>, vector<384x1024xbf16>
    %dot_general3A_295 = arith.constant dense<0.000000e+00> : vector<1024x1024xf32>
    %dot_general3A_296 = tpu.matmul %get3A_291, %get3A_294, %dot_general3A_295 {dimension_numbers = #tpu.dot_dimension_numbers<[1], [0], [0], [1], [0, 0, 1, 1], [], []>, transpose_lhs_hint = false} : vector<1024x384xbf16>, vector<384x1024xbf16>, vector<1024x1024xf32> -> vector<1024x1024xf32>
    %get3A_297 = arith.constant 0 : index
    %get3A_298 = arith.constant 0 : index
    %get3A_299 = vector.load %arg4[%get3A_297, %get3A_298] : memref<1x1024xf32, #tpu.memory_space<vmem>>, vector<1x1024xf32>
    %add3A_300 = vector.broadcast %get3A_299 : vector<1x1024xf32> to vector<1024x1024xf32>
    %add3A_301 = arith.addf %dot_general3A_296, %add3A_300 : vector<1024x1024xf32>
    %slice3A_302 = vector.extract_strided_slice %add3A_301 {offsets = [0, 0], sizes = [1024, 256], strides = [1, 1]} : vector<1024x1024xf32> to vector<1024x256xf32>
    %tanh3A_303 = math.tanh %slice3A_302 : vector<1024x256xf32>
    %mul3A_304 = arith.constant 5.000000e-01 : f32
    %mul3A_305 = vector.broadcast %mul3A_304 : f32 to vector<1024x256xf32>
    %mul3A_306 = arith.mulf %mul3A_305, %tanh3A_303 : vector<1024x256xf32>
    %add3A_307 = arith.constant 5.000000e-01 : f32
    %add3A_308 = vector.broadcast %add3A_307 : f32 to vector<1024x256xf32>
    %add3A_309 = arith.addf %mul3A_306, %add3A_308 : vector<1024x256xf32>
    %slice3A_310 = vector.extract_strided_slice %add3A_301 {offsets = [0, 256], sizes = [1024, 256], strides = [1, 1]} : vector<1024x1024xf32> to vector<1024x256xf32>
    %tanh3A_311 = math.tanh %slice3A_310 : vector<1024x256xf32>
    %mul3A_312 = arith.constant 5.000000e-01 : f32
    %mul3A_313 = vector.broadcast %mul3A_312 : f32 to vector<1024x256xf32>
    %mul3A_314 = arith.mulf %mul3A_313, %tanh3A_311 : vector<1024x256xf32>
    %add3A_315 = arith.constant 5.000000e-01 : f32
    %add3A_316 = vector.broadcast %add3A_315 : f32 to vector<1024x256xf32>
    %add3A_317 = arith.addf %mul3A_314, %add3A_316 : vector<1024x256xf32>
    %slice3A_318 = vector.extract_strided_slice %add3A_301 {offsets = [0, 512], sizes = [1024, 256], strides = [1, 1]} : vector<1024x1024xf32> to vector<1024x256xf32>
    %tanh3A_319 = math.tanh %slice3A_318 : vector<1024x256xf32>
    %slice3A_320 = vector.extract_strided_slice %add3A_301 {offsets = [0, 768], sizes = [1024, 256], strides = [1, 1]} : vector<1024x1024xf32> to vector<1024x256xf32>
    %tanh3A_321 = math.tanh %slice3A_320 : vector<1024x256xf32>
    %mul3A_322 = arith.constant 5.000000e-01 : f32
    %mul3A_323 = vector.broadcast %mul3A_322 : f32 to vector<1024x256xf32>
    %mul3A_324 = arith.mulf %mul3A_323, %tanh3A_321 : vector<1024x256xf32>
    %add3A_325 = arith.constant 5.000000e-01 : f32
    %add3A_326 = vector.broadcast %add3A_325 : f32 to vector<1024x256xf32>
    %add3A_327 = arith.addf %mul3A_324, %add3A_326 : vector<1024x256xf32>
    %get3A_328 = arith.constant 0 : index
    %get3A_329 = arith.constant 0 : index
    %get3A_330 = vector.load %arg10[%get3A_328, %get3A_329] : memref<1024x256xf32, #tpu.memory_space<vmem>>, vector<1024x256xf32>
    %mul3A_331 = arith.mulf %add3A_317, %get3A_330 : vector<1024x256xf32>
    %mul3A_332 = arith.mulf %add3A_309, %tanh3A_319 : vector<1024x256xf32>
    %add3A_333 = arith.addf %mul3A_331, %mul3A_332 : vector<1024x256xf32>
    %tanh3A_334 = math.tanh %add3A_333 : vector<1024x256xf32>
    %mul3A_335 = arith.mulf %add3A_327, %tanh3A_334 : vector<1024x256xf32>
    %swap3A_336 = arith.constant 0 : index
    %swap3A_337 = arith.constant 0 : index
    %swap3A_338 = vector.load %arg10[%swap3A_336, %swap3A_337] : memref<1024x256xf32, #tpu.memory_space<vmem>>, vector<1024x256xf32>
    tpu.vector_store %arg10[%swap3A_336, %swap3A_337], %add3A_333 {strides = array<i32>} : memref<1024x256xf32, #tpu.memory_space<vmem>>, vector<1024x256xf32>,
    %convert_element_type3A_339 = arith.truncf %mul3A_335 : vector<1024x256xf32> to vector<1024x256xbf16>
    %swap3A_340 = arith.constant 0 : index
    %swap3A_341 = arith.constant 128 : index
    %swap3A_342 = vector.load %arg9[%swap3A_340, %swap3A_341] : memref<1024x384xbf16, #tpu.memory_space<vmem>>, vector<1024x256xbf16>
    tpu.vector_store %arg9[%swap3A_340, %swap3A_341], %convert_element_type3A_339 {strides = array<i32>} : memref<1024x384xbf16, #tpu.memory_space<vmem>>, vector<1024x256xbf16>,
    %get3A_343 = arith.constant 0 : index
    %get3A_344 = arith.constant 0 : index
    %get3A_345 = vector.load %arg11[%get3A_343, %get3A_344] : memref<1024x384xbf16, #tpu.memory_space<vmem>>, vector<1024x384xbf16>
    %get3A_346 = arith.constant 0 : index
    %get3A_347 = arith.constant 0 : index
    %get3A_348 = vector.load %arg5[%get3A_346, %get3A_347] : memref<384x1024xbf16, #tpu.memory_space<vmem>>, vector<384x1024xbf16>
    %dot_general3A_349 = arith.constant dense<0.000000e+00> : vector<1024x1024xf32>
    %dot_general3A_350 = tpu.matmul %get3A_345, %get3A_348, %dot_general3A_349 {dimension_numbers = #tpu.dot_dimension_numbers<[1], [0], [0], [1], [0, 0, 1, 1], [], []>, transpose_lhs_hint = false} : vector<1024x384xbf16>, vector<384x1024xbf16>, vector<1024x1024xf32> -> vector<1024x1024xf32>
    %get3A_351 = arith.constant 0 : index
    %get3A_352 = arith.constant 0 : index
    %get3A_353 = vector.load %arg6[%get3A_351, %get3A_352] : memref<1x1024xf32, #tpu.memory_space<vmem>>, vector<1x1024xf32>
    %add3A_354 = vector.broadcast %get3A_353 : vector<1x1024xf32> to vector<1024x1024xf32>
    %add3A_355 = arith.addf %dot_general3A_350, %add3A_354 : vector<1024x1024xf32>
    %slice3A_356 = vector.extract_strided_slice %add3A_355 {offsets = [0, 0], sizes = [1024, 256], strides = [1, 1]} : vector<1024x1024xf32> to vector<1024x256xf32>
    %tanh3A_357 = math.tanh %slice3A_356 : vector<1024x256xf32>
    %mul3A_358 = arith.constant 5.000000e-01 : f32
    %mul3A_359 = vector.broadcast %mul3A_358 : f32 to vector<1024x256xf32>
    %mul3A_360 = arith.mulf %mul3A_359, %tanh3A_357 : vector<1024x256xf32>
    %add3A_361 = arith.constant 5.000000e-01 : f32
    %add3A_362 = vector.broadcast %add3A_361 : f32 to vector<1024x256xf32>
    %add3A_363 = arith.addf %mul3A_360, %add3A_362 : vector<1024x256xf32>
    %slice3A_364 = vector.extract_strided_slice %add3A_355 {offsets = [0, 256], sizes = [1024, 256], strides = [1, 1]} : vector<1024x1024xf32> to vector<1024x256xf32>
    %tanh3A_365 = math.tanh %slice3A_364 : vector<1024x256xf32>
    %mul3A_366 = arith.constant 5.000000e-01 : f32
    %mul3A_367 = vector.broadcast %mul3A_366 : f32 to vector<1024x256xf32>
    %mul3A_368 = arith.mulf %mul3A_367, %tanh3A_365 : vector<1024x256xf32>
    %add3A_369 = arith.constant 5.000000e-01 : f32
    %add3A_370 = vector.broadcast %add3A_369 : f32 to vector<1024x256xf32>
    %add3A_371 = arith.addf %mul3A_368, %add3A_370 : vector<1024x256xf32>
    %slice3A_372 = vector.extract_strided_slice %add3A_355 {offsets = [0, 512], sizes = [1024, 256], strides = [1, 1]} : vector<1024x1024xf32> to vector<1024x256xf32>
    %tanh3A_373 = math.tanh %slice3A_372 : vector<1024x256xf32>
    %slice3A_374 = vector.extract_strided_slice %add3A_355 {offsets = [0, 768], sizes = [1024, 256], strides = [1, 1]} : vector<1024x1024xf32> to vector<1024x256xf32>
    %tanh3A_375 = math.tanh %slice3A_374 : vector<1024x256xf32>
    %mul3A_376 = arith.constant 5.000000e-01 : f32
    %mul3A_377 = vector.broadcast %mul3A_376 : f32 to vector<1024x256xf32>
    %mul3A_378 = arith.mulf %mul3A_377, %tanh3A_375 : vector<1024x256xf32>
    %add3A_379 = arith.constant 5.000000e-01 : f32
    %add3A_380 = vector.broadcast %add3A_379 : f32 to vector<1024x256xf32>
    %add3A_381 = arith.addf %mul3A_378, %add3A_380 : vector<1024x256xf32>
    %get3A_382 = arith.constant 0 : index
    %get3A_383 = arith.constant 0 : index
    %get3A_384 = vector.load %arg12[%get3A_382, %get3A_383] : memref<1024x256xf32, #tpu.memory_space<vmem>>, vector<1024x256xf32>
    %mul3A_385 = arith.mulf %add3A_371, %get3A_384 : vector<1024x256xf32>
    %mul3A_386 = arith.mulf %add3A_363, %tanh3A_373 : vector<1024x256xf32>
    %add3A_387 = arith.addf %mul3A_385, %mul3A_386 : vector<1024x256xf32>
    %tanh3A_388 = math.tanh %add3A_387 : vector<1024x256xf32>
    %mul3A_389 = arith.mulf %add3A_381, %tanh3A_388 : vector<1024x256xf32>
    %swap3A_390 = arith.constant 0 : index
    %swap3A_391 = arith.constant 0 : index
    %swap3A_392 = vector.load %arg12[%swap3A_390, %swap3A_391] : memref<1024x256xf32, #tpu.memory_space<vmem>>, vector<1024x256xf32>
    tpu.vector_store %arg12[%swap3A_390, %swap3A_391], %add3A_387 {strides = array<i32>} : memref<1024x256xf32, #tpu.memory_space<vmem>>, vector<1024x256xf32>,
    %convert_element_type3A_393 = arith.truncf %mul3A_389 : vector<1024x256xf32> to vector<1024x256xbf16>
    %swap3A_394 = arith.constant 0 : index
    %swap3A_395 = arith.constant 128 : index
    %swap3A_396 = vector.load %arg11[%swap3A_394, %swap3A_395] : memref<1024x384xbf16, #tpu.memory_space<vmem>>, vector<1024x256xbf16>
    tpu.vector_store %arg11[%swap3A_394, %swap3A_395], %convert_element_type3A_393 {strides = array<i32>} : memref<1024x384xbf16, #tpu.memory_space<vmem>>, vector<1024x256xbf16>,
    %swap3A_397 = arith.constant 2 : index
    %swap3A_398 = arith.constant 0 : index
    %swap3A_399 = arith.constant 0 : index
    %swap3A_400 = vector.load %arg7[%swap3A_397, %swap3A_398, %swap3A_399] : memref<5x1024x256xbf16, #tpu.memory_space<vmem>>, vector<1x1024x256xbf16>
    %swap3A_401 = vector.shape_cast %swap3A_400 : vector<1x1024x256xbf16> to vector<1024x256xbf16>
    %swap3A_402 = vector.shape_cast %convert_element_type3A_339 : vector<1024x256xbf16> to vector<1x1024x256xbf16>
    tpu.vector_store %arg7[%swap3A_397, %swap3A_398, %swap3A_399], %swap3A_402 {strides = array<i32>} : memref<5x1024x256xbf16, #tpu.memory_space<vmem>>, vector<1x1024x256xbf16>,
    %swap3A_403 = arith.constant 2 : index
    %swap3A_404 = arith.constant 0 : index
    %swap3A_405 = arith.constant 0 : index
    %swap3A_406 = vector.load %arg8[%swap3A_403, %swap3A_404, %swap3A_405] : memref<5x1024x256xbf16, #tpu.memory_space<vmem>>, vector<1x1024x256xbf16>
    %swap3A_407 = vector.shape_cast %swap3A_406 : vector<1x1024x256xbf16> to vector<1024x256xbf16>
    %swap3A_408 = vector.shape_cast %convert_element_type3A_393 : vector<1024x256xbf16> to vector<1x1024x256xbf16>
    tpu.vector_store %arg8[%swap3A_403, %swap3A_404, %swap3A_405], %swap3A_408 {strides = array<i32>} : memref<5x1024x256xbf16, #tpu.memory_space<vmem>>, vector<1x1024x256xbf16>,
    %get3A_409 = arith.constant 3 : index
    %get3A_410 = arith.constant 0 : index
    %get3A_411 = arith.constant 0 : index
    %get3A_412 = vector.load %arg1[%get3A_409, %get3A_410, %get3A_411] : memref<5x1024x128xf32, #tpu.memory_space<vmem>>, vector<1x1024x128xf32>
    %get3A_413 = vector.shape_cast %get3A_412 : vector<1x1024x128xf32> to vector<1024x128xf32>
    %convert_element_type3A_414 = arith.truncf %get3A_413 : vector<1024x128xf32> to vector<1024x128xbf16>
    %swap3A_415 = arith.constant 0 : index
    %swap3A_416 = arith.constant 0 : index
    %swap3A_417 = vector.load %arg9[%swap3A_415, %swap3A_416] : memref<1024x384xbf16, #tpu.memory_space<vmem>>, vector<1024x128xbf16>
    tpu.vector_store %arg9[%swap3A_415, %swap3A_416], %convert_element_type3A_414 {strides = array<i32>} : memref<1024x384xbf16, #tpu.memory_space<vmem>>, vector<1024x128xbf16>,
    %get3A_418 = arith.constant 1 : index
    %get3A_419 = arith.constant 0 : index
    %get3A_420 = arith.constant 0 : index
    %get3A_421 = vector.load %arg2[%get3A_418, %get3A_419, %get3A_420] : memref<5x1024x128xf32, #tpu.memory_space<vmem>>, vector<1x1024x128xf32>
    %get3A_422 = vector.shape_cast %get3A_421 : vector<1x1024x128xf32> to vector<1024x128xf32>
    %convert_element_type3A_423 = arith.truncf %get3A_422 : vector<1024x128xf32> to vector<1024x128xbf16>
    %swap3A_424 = arith.constant 0 : index
    %swap3A_425 = arith.constant 0 : index
    %swap3A_426 = vector.load %arg11[%swap3A_424, %swap3A_425] : memref<1024x384xbf16, #tpu.memory_space<vmem>>, vector<1024x128xbf16>
    tpu.vector_store %arg11[%swap3A_424, %swap3A_425], %convert_element_type3A_423 {strides = array<i32>} : memref<1024x384xbf16, #tpu.memory_space<vmem>>, vector<1024x128xbf16>,
    %get3A_427 = arith.constant 0 : index
    %get3A_428 = arith.constant 0 : index
    %get3A_429 = vector.load %arg9[%get3A_427, %get3A_428] : memref<1024x384xbf16, #tpu.memory_space<vmem>>, vector<1024x384xbf16>
    %get3A_430 = arith.constant 0 : index
    %get3A_431 = arith.constant 0 : index
    %get3A_432 = vector.load %arg3[%get3A_430, %get3A_431] : memref<384x1024xbf16, #tpu.memory_space<vmem>>, vector<384x1024xbf16>
    %dot_general3A_433 = arith.constant dense<0.000000e+00> : vector<1024x1024xf32>
    %dot_general3A_434 = tpu.matmul %get3A_429, %get3A_432, %dot_general3A_433 {dimension_numbers = #tpu.dot_dimension_numbers<[1], [0], [0], [1], [0, 0, 1, 1], [], []>, transpose_lhs_hint = false} : vector<1024x384xbf16>, vector<384x1024xbf16>, vector<1024x1024xf32> -> vector<1024x1024xf32>
    %get3A_435 = arith.constant 0 : index
    %get3A_436 = arith.constant 0 : index
    %get3A_437 = vector.load %arg4[%get3A_435, %get3A_436] : memref<1x1024xf32, #tpu.memory_space<vmem>>, vector<1x1024xf32>
    %add3A_438 = vector.broadcast %get3A_437 : vector<1x1024xf32> to vector<1024x1024xf32>
    %add3A_439 = arith.addf %dot_general3A_434, %add3A_438 : vector<1024x1024xf32>
    %slice3A_440 = vector.extract_strided_slice %add3A_439 {offsets = [0, 0], sizes = [1024, 256], strides = [1, 1]} : vector<1024x1024xf32> to vector<1024x256xf32>
    %tanh3A_441 = math.tanh %slice3A_440 : vector<1024x256xf32>
    %mul3A_442 = arith.constant 5.000000e-01 : f32
    %mul3A_443 = vector.broadcast %mul3A_442 : f32 to vector<1024x256xf32>
    %mul3A_444 = arith.mulf %mul3A_443, %tanh3A_441 : vector<1024x256xf32>
    %add3A_445 = arith.constant 5.000000e-01 : f32
    %add3A_446 = vector.broadcast %add3A_445 : f32 to vector<1024x256xf32>
    %add3A_447 = arith.addf %mul3A_444, %add3A_446 : vector<1024x256xf32>
    %slice3A_448 = vector.extract_strided_slice %add3A_439 {offsets = [0, 256], sizes = [1024, 256], strides = [1, 1]} : vector<1024x1024xf32> to vector<1024x256xf32>
    %tanh3A_449 = math.tanh %slice3A_448 : vector<1024x256xf32>
    %mul3A_450 = arith.constant 5.000000e-01 : f32
    %mul3A_451 = vector.broadcast %mul3A_450 : f32 to vector<1024x256xf32>
    %mul3A_452 = arith.mulf %mul3A_451, %tanh3A_449 : vector<1024x256xf32>
    %add3A_453 = arith.constant 5.000000e-01 : f32
    %add3A_454 = vector.broadcast %add3A_453 : f32 to vector<1024x256xf32>
    %add3A_455 = arith.addf %mul3A_452, %add3A_454 : vector<1024x256xf32>
    %slice3A_456 = vector.extract_strided_slice %add3A_439 {offsets = [0, 512], sizes = [1024, 256], strides = [1, 1]} : vector<1024x1024xf32> to vector<1024x256xf32>
    %tanh3A_457 = math.tanh %slice3A_456 : vector<1024x256xf32>
    %slice3A_458 = vector.extract_strided_slice %add3A_439 {offsets = [0, 768], sizes = [1024, 256], strides = [1, 1]} : vector<1024x1024xf32> to vector<1024x256xf32>
    %tanh3A_459 = math.tanh %slice3A_458 : vector<1024x256xf32>
    %mul3A_460 = arith.constant 5.000000e-01 : f32
    %mul3A_461 = vector.broadcast %mul3A_460 : f32 to vector<1024x256xf32>
    %mul3A_462 = arith.mulf %mul3A_461, %tanh3A_459 : vector<1024x256xf32>
    %add3A_463 = arith.constant 5.000000e-01 : f32
    %add3A_464 = vector.broadcast %add3A_463 : f32 to vector<1024x256xf32>
    %add3A_465 = arith.addf %mul3A_462, %add3A_464 : vector<1024x256xf32>
    %get3A_466 = arith.constant 0 : index
    %get3A_467 = arith.constant 0 : index
    %get3A_468 = vector.load %arg10[%get3A_466, %get3A_467] : memref<1024x256xf32, #tpu.memory_space<vmem>>, vector<1024x256xf32>
    %mul3A_469 = arith.mulf %add3A_455, %get3A_468 : vector<1024x256xf32>
    %mul3A_470 = arith.mulf %add3A_447, %tanh3A_457 : vector<1024x256xf32>
    %add3A_471 = arith.addf %mul3A_469, %mul3A_470 : vector<1024x256xf32>
    %tanh3A_472 = math.tanh %add3A_471 : vector<1024x256xf32>
    %mul3A_473 = arith.mulf %add3A_465, %tanh3A_472 : vector<1024x256xf32>
    %swap3A_474 = arith.constant 0 : index
    %swap3A_475 = arith.constant 0 : index
    %swap3A_476 = vector.load %arg10[%swap3A_474, %swap3A_475] : memref<1024x256xf32, #tpu.memory_space<vmem>>, vector<1024x256xf32>
    tpu.vector_store %arg10[%swap3A_474, %swap3A_475], %add3A_471 {strides = array<i32>} : memref<1024x256xf32, #tpu.memory_space<vmem>>, vector<1024x256xf32>,
    %convert_element_type3A_477 = arith.truncf %mul3A_473 : vector<1024x256xf32> to vector<1024x256xbf16>
    %swap3A_478 = arith.constant 0 : index
    %swap3A_479 = arith.constant 128 : index
    %swap3A_480 = vector.load %arg9[%swap3A_478, %swap3A_479] : memref<1024x384xbf16, #tpu.memory_space<vmem>>, vector<1024x256xbf16>
    tpu.vector_store %arg9[%swap3A_478, %swap3A_479], %convert_element_type3A_477 {strides = array<i32>} : memref<1024x384xbf16, #tpu.memory_space<vmem>>, vector<1024x256xbf16>,
    %get3A_481 = arith.constant 0 : index
    %get3A_482 = arith.constant 0 : index
    %get3A_483 = vector.load %arg11[%get3A_481, %get3A_482] : memref<1024x384xbf16, #tpu.memory_space<vmem>>, vector<1024x384xbf16>
    %get3A_484 = arith.constant 0 : index
    %get3A_485 = arith.constant 0 : index
    %get3A_486 = vector.load %arg5[%get3A_484, %get3A_485] : memref<384x1024xbf16, #tpu.memory_space<vmem>>, vector<384x1024xbf16>
    %dot_general3A_487 = arith.constant dense<0.000000e+00> : vector<1024x1024xf32>
    %dot_general3A_488 = tpu.matmul %get3A_483, %get3A_486, %dot_general3A_487 {dimension_numbers = #tpu.dot_dimension_numbers<[1], [0], [0], [1], [0, 0, 1, 1], [], []>, transpose_lhs_hint = false} : vector<1024x384xbf16>, vector<384x1024xbf16>, vector<1024x1024xf32> -> vector<1024x1024xf32>
    %get3A_489 = arith.constant 0 : index
    %get3A_490 = arith.constant 0 : index
    %get3A_491 = vector.load %arg6[%get3A_489, %get3A_490] : memref<1x1024xf32, #tpu.memory_space<vmem>>, vector<1x1024xf32>
    %add3A_492 = vector.broadcast %get3A_491 : vector<1x1024xf32> to vector<1024x1024xf32>
    %add3A_493 = arith.addf %dot_general3A_488, %add3A_492 : vector<1024x1024xf32>
    %slice3A_494 = vector.extract_strided_slice %add3A_493 {offsets = [0, 0], sizes = [1024, 256], strides = [1, 1]} : vector<1024x1024xf32> to vector<1024x256xf32>
    %tanh3A_495 = math.tanh %slice3A_494 : vector<1024x256xf32>
    %mul3A_496 = arith.constant 5.000000e-01 : f32
    %mul3A_497 = vector.broadcast %mul3A_496 : f32 to vector<1024x256xf32>
    %mul3A_498 = arith.mulf %mul3A_497, %tanh3A_495 : vector<1024x256xf32>
    %add3A_499 = arith.constant 5.000000e-01 : f32
    %add3A_500 = vector.broadcast %add3A_499 : f32 to vector<1024x256xf32>
    %add3A_501 = arith.addf %mul3A_498, %add3A_500 : vector<1024x256xf32>
    %slice3A_502 = vector.extract_strided_slice %add3A_493 {offsets = [0, 256], sizes = [1024, 256], strides = [1, 1]} : vector<1024x1024xf32> to vector<1024x256xf32>
    %tanh3A_503 = math.tanh %slice3A_502 : vector<1024x256xf32>
    %mul3A_504 = arith.constant 5.000000e-01 : f32
    %mul3A_505 = vector.broadcast %mul3A_504 : f32 to vector<1024x256xf32>
    %mul3A_506 = arith.mulf %mul3A_505, %tanh3A_503 : vector<1024x256xf32>
    %add3A_507 = arith.constant 5.000000e-01 : f32
    %add3A_508 = vector.broadcast %add3A_507 : f32 to vector<1024x256xf32>
    %add3A_509 = arith.addf %mul3A_506, %add3A_508 : vector<1024x256xf32>
    %slice3A_510 = vector.extract_strided_slice %add3A_493 {offsets = [0, 512], sizes = [1024, 256], strides = [1, 1]} : vector<1024x1024xf32> to vector<1024x256xf32>
    %tanh3A_511 = math.tanh %slice3A_510 : vector<1024x256xf32>
    %slice3A_512 = vector.extract_strided_slice %add3A_493 {offsets = [0, 768], sizes = [1024, 256], strides = [1, 1]} : vector<1024x1024xf32> to vector<1024x256xf32>
    %tanh3A_513 = math.tanh %slice3A_512 : vector<1024x256xf32>
    %mul3A_514 = arith.constant 5.000000e-01 : f32
    %mul3A_515 = vector.broadcast %mul3A_514 : f32 to vector<1024x256xf32>
    %mul3A_516 = arith.mulf %mul3A_515, %tanh3A_513 : vector<1024x256xf32>
    %add3A_517 = arith.constant 5.000000e-01 : f32
    %add3A_518 = vector.broadcast %add3A_517 : f32 to vector<1024x256xf32>
    %add3A_519 = arith.addf %mul3A_516, %add3A_518 : vector<1024x256xf32>
    %get3A_520 = arith.constant 0 : index
    %get3A_521 = arith.constant 0 : index
    %get3A_522 = vector.load %arg12[%get3A_520, %get3A_521] : memref<1024x256xf32, #tpu.memory_space<vmem>>, vector<1024x256xf32>
    %mul3A_523 = arith.mulf %add3A_509, %get3A_522 : vector<1024x256xf32>
    %mul3A_524 = arith.mulf %add3A_501, %tanh3A_511 : vector<1024x256xf32>
    %add3A_525 = arith.addf %mul3A_523, %mul3A_524 : vector<1024x256xf32>
    %tanh3A_526 = math.tanh %add3A_525 : vector<1024x256xf32>
    %mul3A_527 = arith.mulf %add3A_519, %tanh3A_526 : vector<1024x256xf32>
    %swap3A_528 = arith.constant 0 : index
    %swap3A_529 = arith.constant 0 : index
    %swap3A_530 = vector.load %arg12[%swap3A_528, %swap3A_529] : memref<1024x256xf32, #tpu.memory_space<vmem>>, vector<1024x256xf32>
    tpu.vector_store %arg12[%swap3A_528, %swap3A_529], %add3A_525 {strides = array<i32>} : memref<1024x256xf32, #tpu.memory_space<vmem>>, vector<1024x256xf32>,
    %convert_element_type3A_531 = arith.truncf %mul3A_527 : vector<1024x256xf32> to vector<1024x256xbf16>
    %swap3A_532 = arith.constant 0 : index
    %swap3A_533 = arith.constant 128 : index
    %swap3A_534 = vector.load %arg11[%swap3A_532, %swap3A_533] : memref<1024x384xbf16, #tpu.memory_space<vmem>>, vector<1024x256xbf16>
    tpu.vector_store %arg11[%swap3A_532, %swap3A_533], %convert_element_type3A_531 {strides = array<i32>} : memref<1024x384xbf16, #tpu.memory_space<vmem>>, vector<1024x256xbf16>,
    %swap3A_535 = arith.constant 3 : index
    %swap3A_536 = arith.constant 0 : index
    %swap3A_537 = arith.constant 0 : index
    %swap3A_538 = vector.load %arg7[%swap3A_535, %swap3A_536, %swap3A_537] : memref<5x1024x256xbf16, #tpu.memory_space<vmem>>, vector<1x1024x256xbf16>
    %swap3A_539 = vector.shape_cast %swap3A_538 : vector<1x1024x256xbf16> to vector<1024x256xbf16>
    %swap3A_540 = vector.shape_cast %convert_element_type3A_477 : vector<1024x256xbf16> to vector<1x1024x256xbf16>
    tpu.vector_store %arg7[%swap3A_535, %swap3A_536, %swap3A_537], %swap3A_540 {strides = array<i32>} : memref<5x1024x256xbf16, #tpu.memory_space<vmem>>, vector<1x1024x256xbf16>,
    %swap3A_541 = arith.constant 1 : index
    %swap3A_542 = arith.constant 0 : index
    %swap3A_543 = arith.constant 0 : index
    %swap3A_544 = vector.load %arg8[%swap3A_541, %swap3A_542, %swap3A_543] : memref<5x1024x256xbf16, #tpu.memory_space<vmem>>, vector<1x1024x256xbf16>
    %swap3A_545 = vector.shape_cast %swap3A_544 : vector<1x1024x256xbf16> to vector<1024x256xbf16>
    %swap3A_546 = vector.shape_cast %convert_element_type3A_531 : vector<1024x256xbf16> to vector<1x1024x256xbf16>
    tpu.vector_store %arg8[%swap3A_541, %swap3A_542, %swap3A_543], %swap3A_546 {strides = array<i32>} : memref<5x1024x256xbf16, #tpu.memory_space<vmem>>, vector<1x1024x256xbf16>,
    %get3A_547 = arith.constant 4 : index
    %get3A_548 = arith.constant 0 : index
    %get3A_549 = arith.constant 0 : index
    %get3A_550 = vector.load %arg1[%get3A_547, %get3A_548, %get3A_549] : memref<5x1024x128xf32, #tpu.memory_space<vmem>>, vector<1x1024x128xf32>
    %get3A_551 = vector.shape_cast %get3A_550 : vector<1x1024x128xf32> to vector<1024x128xf32>
    %convert_element_type3A_552 = arith.truncf %get3A_551 : vector<1024x128xf32> to vector<1024x128xbf16>
    %swap3A_553 = arith.constant 0 : index
    %swap3A_554 = arith.constant 0 : index
    %swap3A_555 = vector.load %arg9[%swap3A_553, %swap3A_554] : memref<1024x384xbf16, #tpu.memory_space<vmem>>, vector<1024x128xbf16>
    tpu.vector_store %arg9[%swap3A_553, %swap3A_554], %convert_element_type3A_552 {strides = array<i32>} : memref<1024x384xbf16, #tpu.memory_space<vmem>>, vector<1024x128xbf16>,
    %get3A_556 = arith.constant 0 : index
    %get3A_557 = arith.constant 0 : index
    %get3A_558 = arith.constant 0 : index
    %get3A_559 = vector.load %arg2[%get3A_556, %get3A_557, %get3A_558] : memref<5x1024x128xf32, #tpu.memory_space<vmem>>, vector<1x1024x128xf32>
    %get3A_560 = vector.shape_cast %get3A_559 : vector<1x1024x128xf32> to vector<1024x128xf32>
    %convert_element_type3A_561 = arith.truncf %get3A_560 : vector<1024x128xf32> to vector<1024x128xbf16>
    %swap3A_562 = arith.constant 0 : index
    %swap3A_563 = arith.constant 0 : index
    %swap3A_564 = vector.load %arg11[%swap3A_562, %swap3A_563] : memref<1024x384xbf16, #tpu.memory_space<vmem>>, vector<1024x128xbf16>
    tpu.vector_store %arg11[%swap3A_562, %swap3A_563], %convert_element_type3A_561 {strides = array<i32>} : memref<1024x384xbf16, #tpu.memory_space<vmem>>, vector<1024x128xbf16>,
    %get3A_565 = arith.constant 0 : index
    %get3A_566 = arith.constant 0 : index
    %get3A_567 = vector.load %arg9[%get3A_565, %get3A_566] : memref<1024x384xbf16, #tpu.memory_space<vmem>>, vector<1024x384xbf16>
    %get3A_568 = arith.constant 0 : index
    %get3A_569 = arith.constant 0 : index
    %get3A_570 = vector.load %arg3[%get3A_568, %get3A_569] : memref<384x1024xbf16, #tpu.memory_space<vmem>>, vector<384x1024xbf16>
    %dot_general3A_571 = arith.constant dense<0.000000e+00> : vector<1024x1024xf32>
    %dot_general3A_572 = tpu.matmul %get3A_567, %get3A_570, %dot_general3A_571 {dimension_numbers = #tpu.dot_dimension_numbers<[1], [0], [0], [1], [0, 0, 1, 1], [], []>, transpose_lhs_hint = false} : vector<1024x384xbf16>, vector<384x1024xbf16>, vector<1024x1024xf32> -> vector<1024x1024xf32>
    %get3A_573 = arith.constant 0 : index
    %get3A_574 = arith.constant 0 : index
    %get3A_575 = vector.load %arg4[%get3A_573, %get3A_574] : memref<1x1024xf32, #tpu.memory_space<vmem>>, vector<1x1024xf32>
    %add3A_576 = vector.broadcast %get3A_575 : vector<1x1024xf32> to vector<1024x1024xf32>
    %add3A_577 = arith.addf %dot_general3A_572, %add3A_576 : vector<1024x1024xf32>
    %slice3A_578 = vector.extract_strided_slice %add3A_577 {offsets = [0, 0], sizes = [1024, 256], strides = [1, 1]} : vector<1024x1024xf32> to vector<1024x256xf32>
    %tanh3A_579 = math.tanh %slice3A_578 : vector<1024x256xf32>
    %mul3A_580 = arith.constant 5.000000e-01 : f32
    %mul3A_581 = vector.broadcast %mul3A_580 : f32 to vector<1024x256xf32>
    %mul3A_582 = arith.mulf %mul3A_581, %tanh3A_579 : vector<1024x256xf32>
    %add3A_583 = arith.constant 5.000000e-01 : f32
    %add3A_584 = vector.broadcast %add3A_583 : f32 to vector<1024x256xf32>
    %add3A_585 = arith.addf %mul3A_582, %add3A_584 : vector<1024x256xf32>
    %slice3A_586 = vector.extract_strided_slice %add3A_577 {offsets = [0, 256], sizes = [1024, 256], strides = [1, 1]} : vector<1024x1024xf32> to vector<1024x256xf32>
    %tanh3A_587 = math.tanh %slice3A_586 : vector<1024x256xf32>
    %mul3A_588 = arith.constant 5.000000e-01 : f32
    %mul3A_589 = vector.broadcast %mul3A_588 : f32 to vector<1024x256xf32>
    %mul3A_590 = arith.mulf %mul3A_589, %tanh3A_587 : vector<1024x256xf32>
    %add3A_591 = arith.constant 5.000000e-01 : f32
    %add3A_592 = vector.broadcast %add3A_591 : f32 to vector<1024x256xf32>
    %add3A_593 = arith.addf %mul3A_590, %add3A_592 : vector<1024x256xf32>
    %slice3A_594 = vector.extract_strided_slice %add3A_577 {offsets = [0, 512], sizes = [1024, 256], strides = [1, 1]} : vector<1024x1024xf32> to vector<1024x256xf32>
    %tanh3A_595 = math.tanh %slice3A_594 : vector<1024x256xf32>
    %slice3A_596 = vector.extract_strided_slice %add3A_577 {offsets = [0, 768], sizes = [1024, 256], strides = [1, 1]} : vector<1024x1024xf32> to vector<1024x256xf32>
    %tanh3A_597 = math.tanh %slice3A_596 : vector<1024x256xf32>
    %mul3A_598 = arith.constant 5.000000e-01 : f32
    %mul3A_599 = vector.broadcast %mul3A_598 : f32 to vector<1024x256xf32>
    %mul3A_600 = arith.mulf %mul3A_599, %tanh3A_597 : vector<1024x256xf32>
    %add3A_601 = arith.constant 5.000000e-01 : f32
    %add3A_602 = vector.broadcast %add3A_601 : f32 to vector<1024x256xf32>
    %add3A_603 = arith.addf %mul3A_600, %add3A_602 : vector<1024x256xf32>
    %get3A_604 = arith.constant 0 : index
    %get3A_605 = arith.constant 0 : index
    %get3A_606 = vector.load %arg10[%get3A_604, %get3A_605] : memref<1024x256xf32, #tpu.memory_space<vmem>>, vector<1024x256xf32>
    %mul3A_607 = arith.mulf %add3A_593, %get3A_606 : vector<1024x256xf32>
    %mul3A_608 = arith.mulf %add3A_585, %tanh3A_595 : vector<1024x256xf32>
    %add3A_609 = arith.addf %mul3A_607, %mul3A_608 : vector<1024x256xf32>
    %tanh3A_610 = math.tanh %add3A_609 : vector<1024x256xf32>
    %mul3A_611 = arith.mulf %add3A_603, %tanh3A_610 : vector<1024x256xf32>
    %swap3A_612 = arith.constant 0 : index
    %swap3A_613 = arith.constant 0 : index
    %swap3A_614 = vector.load %arg10[%swap3A_612, %swap3A_613] : memref<1024x256xf32, #tpu.memory_space<vmem>>, vector<1024x256xf32>
    tpu.vector_store %arg10[%swap3A_612, %swap3A_613], %add3A_609 {strides = array<i32>} : memref<1024x256xf32, #tpu.memory_space<vmem>>, vector<1024x256xf32>,
    %convert_element_type3A_615 = arith.truncf %mul3A_611 : vector<1024x256xf32> to vector<1024x256xbf16>
    %swap3A_616 = arith.constant 0 : index
    %swap3A_617 = arith.constant 128 : index
    %swap3A_618 = vector.load %arg9[%swap3A_616, %swap3A_617] : memref<1024x384xbf16, #tpu.memory_space<vmem>>, vector<1024x256xbf16>
    tpu.vector_store %arg9[%swap3A_616, %swap3A_617], %convert_element_type3A_615 {strides = array<i32>} : memref<1024x384xbf16, #tpu.memory_space<vmem>>, vector<1024x256xbf16>,
    %get3A_619 = arith.constant 0 : index
    %get3A_620 = arith.constant 0 : index
    %get3A_621 = vector.load %arg11[%get3A_619, %get3A_620] : memref<1024x384xbf16, #tpu.memory_space<vmem>>, vector<1024x384xbf16>
    %get3A_622 = arith.constant 0 : index
    %get3A_623 = arith.constant 0 : index
    %get3A_624 = vector.load %arg5[%get3A_622, %get3A_623] : memref<384x1024xbf16, #tpu.memory_space<vmem>>, vector<384x1024xbf16>
    %dot_general3A_625 = arith.constant dense<0.000000e+00> : vector<1024x1024xf32>
    %dot_general3A_626 = tpu.matmul %get3A_621, %get3A_624, %dot_general3A_625 {dimension_numbers = #tpu.dot_dimension_numbers<[1], [0], [0], [1], [0, 0, 1, 1], [], []>, transpose_lhs_hint = false} : vector<1024x384xbf16>, vector<384x1024xbf16>, vector<1024x1024xf32> -> vector<1024x1024xf32>
    %get3A_627 = arith.constant 0 : index
    %get3A_628 = arith.constant 0 : index
    %get3A_629 = vector.load %arg6[%get3A_627, %get3A_628] : memref<1x1024xf32, #tpu.memory_space<vmem>>, vector<1x1024xf32>
    %add3A_630 = vector.broadcast %get3A_629 : vector<1x1024xf32> to vector<1024x1024xf32>
    %add3A_631 = arith.addf %dot_general3A_626, %add3A_630 : vector<1024x1024xf32>
    %slice3A_632 = vector.extract_strided_slice %add3A_631 {offsets = [0, 0], sizes = [1024, 256], strides = [1, 1]} : vector<1024x1024xf32> to vector<1024x256xf32>
    %tanh3A_633 = math.tanh %slice3A_632 : vector<1024x256xf32>
    %mul3A_634 = arith.constant 5.000000e-01 : f32
    %mul3A_635 = vector.broadcast %mul3A_634 : f32 to vector<1024x256xf32>
    %mul3A_636 = arith.mulf %mul3A_635, %tanh3A_633 : vector<1024x256xf32>
    %add3A_637 = arith.constant 5.000000e-01 : f32
    %add3A_638 = vector.broadcast %add3A_637 : f32 to vector<1024x256xf32>
    %add3A_639 = arith.addf %mul3A_636, %add3A_638 : vector<1024x256xf32>
    %slice3A_640 = vector.extract_strided_slice %add3A_631 {offsets = [0, 256], sizes = [1024, 256], strides = [1, 1]} : vector<1024x1024xf32> to vector<1024x256xf32>
    %tanh3A_641 = math.tanh %slice3A_640 : vector<1024x256xf32>
    %mul3A_642 = arith.constant 5.000000e-01 : f32
    %mul3A_643 = vector.broadcast %mul3A_642 : f32 to vector<1024x256xf32>
    %mul3A_644 = arith.mulf %mul3A_643, %tanh3A_641 : vector<1024x256xf32>
    %add3A_645 = arith.constant 5.000000e-01 : f32
    %add3A_646 = vector.broadcast %add3A_645 : f32 to vector<1024x256xf32>
    %add3A_647 = arith.addf %mul3A_644, %add3A_646 : vector<1024x256xf32>
    %slice3A_648 = vector.extract_strided_slice %add3A_631 {offsets = [0, 512], sizes = [1024, 256], strides = [1, 1]} : vector<1024x1024xf32> to vector<1024x256xf32>
    %tanh3A_649 = math.tanh %slice3A_648 : vector<1024x256xf32>
    %slice3A_650 = vector.extract_strided_slice %add3A_631 {offsets = [0, 768], sizes = [1024, 256], strides = [1, 1]} : vector<1024x1024xf32> to vector<1024x256xf32>
    %tanh3A_651 = math.tanh %slice3A_650 : vector<1024x256xf32>
    %mul3A_652 = arith.constant 5.000000e-01 : f32
    %mul3A_653 = vector.broadcast %mul3A_652 : f32 to vector<1024x256xf32>
    %mul3A_654 = arith.mulf %mul3A_653, %tanh3A_651 : vector<1024x256xf32>
    %add3A_655 = arith.constant 5.000000e-01 : f32
    %add3A_656 = vector.broadcast %add3A_655 : f32 to vector<1024x256xf32>
    %add3A_657 = arith.addf %mul3A_654, %add3A_656 : vector<1024x256xf32>
    %get3A_658 = arith.constant 0 : index
    %get3A_659 = arith.constant 0 : index
    %get3A_660 = vector.load %arg12[%get3A_658, %get3A_659] : memref<1024x256xf32, #tpu.memory_space<vmem>>, vector<1024x256xf32>
    %mul3A_661 = arith.mulf %add3A_647, %get3A_660 : vector<1024x256xf32>
    %mul3A_662 = arith.mulf %add3A_639, %tanh3A_649 : vector<1024x256xf32>
    %add3A_663 = arith.addf %mul3A_661, %mul3A_662 : vector<1024x256xf32>
    %tanh3A_664 = math.tanh %add3A_663 : vector<1024x256xf32>
    %mul3A_665 = arith.mulf %add3A_657, %tanh3A_664 : vector<1024x256xf32>
    %swap3A_666 = arith.constant 0 : index
    %swap3A_667 = arith.constant 0 : index
    %swap3A_668 = vector.load %arg12[%swap3A_666, %swap3A_667] : memref<1024x256xf32, #tpu.memory_space<vmem>>, vector<1024x256xf32>
    tpu.vector_store %arg12[%swap3A_666, %swap3A_667], %add3A_663 {strides = array<i32>} : memref<1024x256xf32, #tpu.memory_space<vmem>>, vector<1024x256xf32>,
    %convert_element_type3A_669 = arith.truncf %mul3A_665 : vector<1024x256xf32> to vector<1024x256xbf16>
    %swap3A_670 = arith.constant 0 : index
    %swap3A_671 = arith.constant 128 : index
    %swap3A_672 = vector.load %arg11[%swap3A_670, %swap3A_671] : memref<1024x384xbf16, #tpu.memory_space<vmem>>, vector<1024x256xbf16>
    tpu.vector_store %arg11[%swap3A_670, %swap3A_671], %convert_element_type3A_669 {strides = array<i32>} : memref<1024x384xbf16, #tpu.memory_space<vmem>>, vector<1024x256xbf16>,
    %swap3A_673 = arith.constant 4 : index
    %swap3A_674 = arith.constant 0 : index
    %swap3A_675 = arith.constant 0 : index
    %swap3A_676 = vector.load %arg7[%swap3A_673, %swap3A_674, %swap3A_675] : memref<5x1024x256xbf16, #tpu.memory_space<vmem>>, vector<1x1024x256xbf16>
    %swap3A_677 = vector.shape_cast %swap3A_676 : vector<1x1024x256xbf16> to vector<1024x256xbf16>
    %swap3A_678 = vector.shape_cast %convert_element_type3A_615 : vector<1024x256xbf16> to vector<1x1024x256xbf16>
    tpu.vector_store %arg7[%swap3A_673, %swap3A_674, %swap3A_675], %swap3A_678 {strides = array<i32>} : memref<5x1024x256xbf16, #tpu.memory_space<vmem>>, vector<1x1024x256xbf16>,
    %swap3A_679 = arith.constant 0 : index
    %swap3A_680 = arith.constant 0 : index
    %swap3A_681 = arith.constant 0 : index
    %swap3A_682 = vector.load %arg8[%swap3A_679, %swap3A_680, %swap3A_681] : memref<5x1024x256xbf16, #tpu.memory_space<vmem>>, vector<1x1024x256xbf16>
    %swap3A_683 = vector.shape_cast %swap3A_682 : vector<1x1024x256xbf16> to vector<1024x256xbf16>
    %swap3A_684 = vector.shape_cast %convert_element_type3A_669 : vector<1024x256xbf16> to vector<1x1024x256xbf16>
    tpu.vector_store %arg8[%swap3A_679, %swap3A_680, %swap3A_681], %swap3A_684 {strides = array<i32>} : memref<5x1024x256xbf16, #tpu.memory_space<vmem>>, vector<1x1024x256xbf16>,
    return
  }
  func.func @transform_0(%arg0: i32) -> (i32, i32, i32) {
    %c0_i32 = arith.constant 0 : i32
    %c0_i32_0 = arith.constant 0 : i32
    %c0_i32_1 = arith.constant 0 : i32
    return %arg0, %c0_i32, %c0_i32_0 : i32, i32, i32
  }
  func.func @transform_1(%arg0: i32) -> (i32, i32, i32) {
    %sub3A = arith.constant 39 : i32
    %sub3A_0 = arith.subi %sub3A, %arg0 : i32
    %c0_i32 = arith.constant 0 : i32
    %c0_i32_1 = arith.constant 0 : i32
    %c0_i32_2 = arith.constant 0 : i32
    return %sub3A_0, %c0_i32, %c0_i32_1 : i32, i32, i32
  }
  func.func @transform_2(%arg0: i32) -> (i32, i32) {
    %c0_i32 = arith.constant 0 : i32
    %c0_i32_0 = arith.constant 0 : i32
    %c0_i32_1 = arith.constant 0 : i32
    return %c0_i32, %c0_i32_0 : i32, i32
  }
  func.func @transform_3(%arg0: i32) -> (i32, i32) {
    %c0_i32 = arith.constant 0 : i32
    %c0_i32_0 = arith.constant 0 : i32
    %c0_i32_1 = arith.constant 0 : i32
    return %c0_i32, %c0_i32_0 : i32, i32
  }
  func.func @transform_4(%arg0: i32) -> (i32, i32) {
    %c0_i32 = arith.constant 0 : i32
    %c0_i32_0 = arith.constant 0 : i32
    %c0_i32_1 = arith.constant 0 : i32
    return %c0_i32, %c0_i32_0 : i32, i32
  }
  func.func @transform_5(%arg0: i32) -> (i32, i32) {
    %c0_i32 = arith.constant 0 : i32
    %c0_i32_0 = arith.constant 0 : i32
    %c0_i32_1 = arith.constant 0 : i32
    return %c0_i32, %c0_i32_0 : i32, i32
  }
  func.func @transform_6(%arg0: i32) -> (i32, i32, i32) {
    %c0_i32 = arith.constant 0 : i32
    %c0_i32_0 = arith.constant 0 : i32
    %c0_i32_1 = arith.constant 0 : i32
    return %arg0, %c0_i32, %c0_i32_0 : i32, i32, i32
  }
  func.func @transform_7(%arg0: i32) -> (i32, i32, i32) {
    %sub3A = arith.constant 39 : i32
    %sub3A_0 = arith.subi %sub3A, %arg0 : i32
    %c0_i32 = arith.constant 0 : i32
    %c0_i32_1 = arith.constant 0 : i32
    %c0_i32_2 = arith.constant 0 : i32
    return %sub3A_0, %c0_i32, %c0_i32_1 : i32, i32, i32
  }
}

module attributes {stable_mosaic.version = 14 : i64} {
  func.func @_lstm1_body(%arg0: i32, %arg1: memref<5x1024x256xbf16, #tpu.memory_space<vmem>>, %arg2: memref<5x1024x256xbf16, #tpu.memory_space<vmem>>, %arg3: memref<5x1024x256xbf16, #tpu.memory_space<vmem>>, %arg4: memref<5x1024x256xbf16, #tpu.memory_space<vmem>>, %arg5: memref<768x1024xbf16, #tpu.memory_space<vmem>>, %arg6: memref<1x1024xf32, #tpu.memory_space<vmem>>, %arg7: memref<768x1024xbf16, #tpu.memory_space<vmem>>, %arg8: memref<1x1024xf32, #tpu.memory_space<vmem>>, %arg9: memref<512x2xf32, #tpu.memory_space<vmem>>, %arg10: memref<1x2xf32, #tpu.memory_space<vmem>>, %arg11: memref<1024x2xf32, #tpu.memory_space<vmem>>, %arg12: memref<1024x768xbf16, #tpu.memory_space<vmem>>, %arg13: memref<1024x256xf32, #tpu.memory_space<vmem>>, %arg14: memref<1024x768xbf16, #tpu.memory_space<vmem>>, %arg15: memref<1024x256xf32, #tpu.memory_space<vmem>>) attributes {dimension_semantics = [#tpu.dimension_semantics<arbitrary>], iteration_bounds = array<i64: 40>, scalar_prefetch = 0 : i64, scratch_operands = 4 : i64, tpu.core_type = #tpu.core_type<tc>, window_params = [{transform_indices = @transform_0, window_bounds = array<i64: 5, 1024, 256>}, {transform_indices = @transform_1, window_bounds = array<i64: 5, 1024, 256>}, {transform_indices = @transform_2, window_bounds = array<i64: 5, 1024, 256>}, {transform_indices = @transform_3, window_bounds = array<i64: 5, 1024, 256>}, {pipeline_mode = #tpu.pipeline_mode<synchronous>, transform_indices = @transform_4, window_bounds = array<i64: 768, 1024>}, {pipeline_mode = #tpu.pipeline_mode<synchronous>, transform_indices = @transform_5, window_bounds = array<i64: 1, 1024>}, {pipeline_mode = #tpu.pipeline_mode<synchronous>, transform_indices = @transform_6, window_bounds = array<i64: 768, 1024>}, {pipeline_mode = #tpu.pipeline_mode<synchronous>, transform_indices = @transform_7, window_bounds = array<i64: 1, 1024>}, {pipeline_mode = #tpu.pipeline_mode<synchronous>, transform_indices = @transform_8, window_bounds = array<i64: 512, 2>}, {pipeline_mode = #tpu.pipeline_mode<synchronous>, transform_indices = @transform_9, window_bounds = array<i64: 1, 2>}, {pipeline_mode = #tpu.pipeline_mode<synchronous>, transform_indices = @transform_10, window_bounds = array<i64: 1024, 2>}]} {
    %eq3A = arith.constant 0 : i32
    %eq3A_0 = arith.cmpi eq, %arg0, %eq3A : i32
    %convert_element_type3A = arith.extui %eq3A_0 : i1 to i32
    %cond3A = arith.constant 0 : i32
    %cond3A_1 = arith.cmpi ne, %convert_element_type3A, %cond3A : i32
    scf.if %cond3A_1 {
      %broadcast_in_dim3A = arith.constant 0.000000e+00 : f32
      %broadcast_in_dim3A_700 = vector.broadcast %broadcast_in_dim3A : f32 to vector<1024x256xf32>
      %swap3A_701 = arith.constant 0 : index
      %swap3A_702 = arith.constant 0 : index
      %swap3A_703 = vector.load %arg13[%swap3A_701, %swap3A_702] : memref<1024x256xf32, #tpu.memory_space<vmem>>, vector<1024x256xf32>
      tpu.vector_store %arg13[%swap3A_701, %swap3A_702], %broadcast_in_dim3A_700 {strides = array<i32>} : memref<1024x256xf32, #tpu.memory_space<vmem>>, vector<1024x256xf32>,
      %broadcast_in_dim3A_704 = arith.constant 0.000000e+00 : f32
      %broadcast_in_dim3A_705 = vector.broadcast %broadcast_in_dim3A_704 : f32 to vector<1024x256xf32>
      %swap3A_706 = arith.constant 0 : index
      %swap3A_707 = arith.constant 0 : index
      %swap3A_708 = vector.load %arg15[%swap3A_706, %swap3A_707] : memref<1024x256xf32, #tpu.memory_space<vmem>>, vector<1024x256xf32>
      tpu.vector_store %arg15[%swap3A_706, %swap3A_707], %broadcast_in_dim3A_705 {strides = array<i32>} : memref<1024x256xf32, #tpu.memory_space<vmem>>, vector<1024x256xf32>,
      %broadcast_in_dim3A_709 = arith.constant 0.000000e+00 : bf16
      %broadcast_in_dim3A_710 = vector.broadcast %broadcast_in_dim3A_709 : bf16 to vector<1024x256xbf16>
      %swap3A_711 = arith.constant 0 : index
      %swap3A_712 = arith.constant 512 : index
      %swap3A_713 = vector.load %arg12[%swap3A_711, %swap3A_712] : memref<1024x768xbf16, #tpu.memory_space<vmem>>, vector<1024x256xbf16>
      tpu.vector_store %arg12[%swap3A_711, %swap3A_712], %broadcast_in_dim3A_710 {strides = array<i32>} : memref<1024x768xbf16, #tpu.memory_space<vmem>>, vector<1024x256xbf16>,
      %broadcast_in_dim3A_714 = arith.constant 0.000000e+00 : bf16
      %broadcast_in_dim3A_715 = vector.broadcast %broadcast_in_dim3A_714 : bf16 to vector<1024x256xbf16>
      %swap3A_716 = arith.constant 0 : index
      %swap3A_717 = arith.constant 512 : index
      %swap3A_718 = vector.load %arg14[%swap3A_716, %swap3A_717] : memref<1024x768xbf16, #tpu.memory_space<vmem>>, vector<1024x256xbf16>
      tpu.vector_store %arg14[%swap3A_716, %swap3A_717], %broadcast_in_dim3A_715 {strides = array<i32>} : memref<1024x768xbf16, #tpu.memory_space<vmem>>, vector<1024x256xbf16>,
    } else {
    }
    %get3A = arith.constant 0 : index
    %get3A_2 = arith.constant 0 : index
    %get3A_3 = arith.constant 0 : index
    %get3A_4 = vector.load %arg1[%get3A, %get3A_2, %get3A_3] : memref<5x1024x256xbf16, #tpu.memory_space<vmem>>, vector<1x1024x256xbf16>
    %get3A_5 = vector.shape_cast %get3A_4 : vector<1x1024x256xbf16> to vector<1024x256xbf16>
    %swap3A = arith.constant 0 : index
    %swap3A_6 = arith.constant 0 : index
    %swap3A_7 = vector.load %arg12[%swap3A, %swap3A_6] : memref<1024x768xbf16, #tpu.memory_space<vmem>>, vector<1024x256xbf16>
    tpu.vector_store %arg12[%swap3A, %swap3A_6], %get3A_5 {strides = array<i32>} : memref<1024x768xbf16, #tpu.memory_space<vmem>>, vector<1024x256xbf16>,
    %get3A_8 = arith.constant 0 : index
    %get3A_9 = arith.constant 0 : index
    %get3A_10 = arith.constant 0 : index
    %get3A_11 = vector.load %arg2[%get3A_8, %get3A_9, %get3A_10] : memref<5x1024x256xbf16, #tpu.memory_space<vmem>>, vector<1x1024x256xbf16>
    %get3A_12 = vector.shape_cast %get3A_11 : vector<1x1024x256xbf16> to vector<1024x256xbf16>
    %swap3A_13 = arith.constant 0 : index
    %swap3A_14 = arith.constant 256 : index
    %swap3A_15 = vector.load %arg12[%swap3A_13, %swap3A_14] : memref<1024x768xbf16, #tpu.memory_space<vmem>>, vector<1024x256xbf16>
    tpu.vector_store %arg12[%swap3A_13, %swap3A_14], %get3A_12 {strides = array<i32>} : memref<1024x768xbf16, #tpu.memory_space<vmem>>, vector<1024x256xbf16>,
    %get3A_16 = arith.constant 4 : index
    %get3A_17 = arith.constant 0 : index
    %get3A_18 = arith.constant 0 : index
    %get3A_19 = vector.load %arg3[%get3A_16, %get3A_17, %get3A_18] : memref<5x1024x256xbf16, #tpu.memory_space<vmem>>, vector<1x1024x256xbf16>
    %get3A_20 = vector.shape_cast %get3A_19 : vector<1x1024x256xbf16> to vector<1024x256xbf16>
    %swap3A_21 = arith.constant 0 : index
    %swap3A_22 = arith.constant 0 : index
    %swap3A_23 = vector.load %arg14[%swap3A_21, %swap3A_22] : memref<1024x768xbf16, #tpu.memory_space<vmem>>, vector<1024x256xbf16>
    tpu.vector_store %arg14[%swap3A_21, %swap3A_22], %get3A_20 {strides = array<i32>} : memref<1024x768xbf16, #tpu.memory_space<vmem>>, vector<1024x256xbf16>,
    %get3A_24 = arith.constant 4 : index
    %get3A_25 = arith.constant 0 : index
    %get3A_26 = arith.constant 0 : index
    %get3A_27 = vector.load %arg4[%get3A_24, %get3A_25, %get3A_26] : memref<5x1024x256xbf16, #tpu.memory_space<vmem>>, vector<1x1024x256xbf16>
    %get3A_28 = vector.shape_cast %get3A_27 : vector<1x1024x256xbf16> to vector<1024x256xbf16>
    %swap3A_29 = arith.constant 0 : index
    %swap3A_30 = arith.constant 256 : index
    %swap3A_31 = vector.load %arg14[%swap3A_29, %swap3A_30] : memref<1024x768xbf16, #tpu.memory_space<vmem>>, vector<1024x256xbf16>
    tpu.vector_store %arg14[%swap3A_29, %swap3A_30], %get3A_28 {strides = array<i32>} : memref<1024x768xbf16, #tpu.memory_space<vmem>>, vector<1024x256xbf16>,
    %get3A_32 = arith.constant 0 : index
    %get3A_33 = arith.constant 0 : index
    %get3A_34 = vector.load %arg12[%get3A_32, %get3A_33] : memref<1024x768xbf16, #tpu.memory_space<vmem>>, vector<1024x768xbf16>
    %get3A_35 = arith.constant 0 : index
    %get3A_36 = arith.constant 0 : index
    %get3A_37 = vector.load %arg5[%get3A_35, %get3A_36] : memref<768x1024xbf16, #tpu.memory_space<vmem>>, vector<768x1024xbf16>
    %dot_general3A = arith.constant dense<0.000000e+00> : vector<1024x1024xf32>
    %dot_general3A_38 = tpu.matmul %get3A_34, %get3A_37, %dot_general3A {dimension_numbers = #tpu.dot_dimension_numbers<[1], [0], [0], [1], [0, 0, 1, 1], [], []>, transpose_lhs_hint = false} : vector<1024x768xbf16>, vector<768x1024xbf16>, vector<1024x1024xf32> -> vector<1024x1024xf32>
    %get3A_39 = arith.constant 0 : index
    %get3A_40 = arith.constant 0 : index
    %get3A_41 = vector.load %arg6[%get3A_39, %get3A_40] : memref<1x1024xf32, #tpu.memory_space<vmem>>, vector<1x1024xf32>
    %add3A = vector.broadcast %get3A_41 : vector<1x1024xf32> to vector<1024x1024xf32>
    %add3A_42 = arith.addf %dot_general3A_38, %add3A : vector<1024x1024xf32>
    %slice3A = vector.extract_strided_slice %add3A_42 {offsets = [0, 0], sizes = [1024, 256], strides = [1, 1]} : vector<1024x1024xf32> to vector<1024x256xf32>
    %tanh3A = math.tanh %slice3A : vector<1024x256xf32>
    %mul3A = arith.constant 5.000000e-01 : f32
    %mul3A_43 = vector.broadcast %mul3A : f32 to vector<1024x256xf32>
    %mul3A_44 = arith.mulf %mul3A_43, %tanh3A : vector<1024x256xf32>
    %add3A_45 = arith.constant 5.000000e-01 : f32
    %add3A_46 = vector.broadcast %add3A_45 : f32 to vector<1024x256xf32>
    %add3A_47 = arith.addf %mul3A_44, %add3A_46 : vector<1024x256xf32>
    %slice3A_48 = vector.extract_strided_slice %add3A_42 {offsets = [0, 256], sizes = [1024, 256], strides = [1, 1]} : vector<1024x1024xf32> to vector<1024x256xf32>
    %tanh3A_49 = math.tanh %slice3A_48 : vector<1024x256xf32>
    %mul3A_50 = arith.constant 5.000000e-01 : f32
    %mul3A_51 = vector.broadcast %mul3A_50 : f32 to vector<1024x256xf32>
    %mul3A_52 = arith.mulf %mul3A_51, %tanh3A_49 : vector<1024x256xf32>
    %add3A_53 = arith.constant 5.000000e-01 : f32
    %add3A_54 = vector.broadcast %add3A_53 : f32 to vector<1024x256xf32>
    %add3A_55 = arith.addf %mul3A_52, %add3A_54 : vector<1024x256xf32>
    %slice3A_56 = vector.extract_strided_slice %add3A_42 {offsets = [0, 512], sizes = [1024, 256], strides = [1, 1]} : vector<1024x1024xf32> to vector<1024x256xf32>
    %tanh3A_57 = math.tanh %slice3A_56 : vector<1024x256xf32>
    %slice3A_58 = vector.extract_strided_slice %add3A_42 {offsets = [0, 768], sizes = [1024, 256], strides = [1, 1]} : vector<1024x1024xf32> to vector<1024x256xf32>
    %tanh3A_59 = math.tanh %slice3A_58 : vector<1024x256xf32>
    %mul3A_60 = arith.constant 5.000000e-01 : f32
    %mul3A_61 = vector.broadcast %mul3A_60 : f32 to vector<1024x256xf32>
    %mul3A_62 = arith.mulf %mul3A_61, %tanh3A_59 : vector<1024x256xf32>
    %add3A_63 = arith.constant 5.000000e-01 : f32
    %add3A_64 = vector.broadcast %add3A_63 : f32 to vector<1024x256xf32>
    %add3A_65 = arith.addf %mul3A_62, %add3A_64 : vector<1024x256xf32>
    %get3A_66 = arith.constant 0 : index
    %get3A_67 = arith.constant 0 : index
    %get3A_68 = vector.load %arg13[%get3A_66, %get3A_67] : memref<1024x256xf32, #tpu.memory_space<vmem>>, vector<1024x256xf32>
    %mul3A_69 = arith.mulf %add3A_55, %get3A_68 : vector<1024x256xf32>
    %mul3A_70 = arith.mulf %add3A_47, %tanh3A_57 : vector<1024x256xf32>
    %add3A_71 = arith.addf %mul3A_69, %mul3A_70 : vector<1024x256xf32>
    %tanh3A_72 = math.tanh %add3A_71 : vector<1024x256xf32>
    %mul3A_73 = arith.mulf %add3A_65, %tanh3A_72 : vector<1024x256xf32>
    %swap3A_74 = arith.constant 0 : index
    %swap3A_75 = arith.constant 0 : index
    %swap3A_76 = vector.load %arg13[%swap3A_74, %swap3A_75] : memref<1024x256xf32, #tpu.memory_space<vmem>>, vector<1024x256xf32>
    tpu.vector_store %arg13[%swap3A_74, %swap3A_75], %add3A_71 {strides = array<i32>} : memref<1024x256xf32, #tpu.memory_space<vmem>>, vector<1024x256xf32>,
    %convert_element_type3A_77 = arith.truncf %mul3A_73 : vector<1024x256xf32> to vector<1024x256xbf16>
    %swap3A_78 = arith.constant 0 : index
    %swap3A_79 = arith.constant 512 : index
    %swap3A_80 = vector.load %arg12[%swap3A_78, %swap3A_79] : memref<1024x768xbf16, #tpu.memory_space<vmem>>, vector<1024x256xbf16>
    tpu.vector_store %arg12[%swap3A_78, %swap3A_79], %convert_element_type3A_77 {strides = array<i32>} : memref<1024x768xbf16, #tpu.memory_space<vmem>>, vector<1024x256xbf16>,
    %get3A_81 = arith.constant 0 : index
    %get3A_82 = arith.constant 0 : index
    %get3A_83 = vector.load %arg14[%get3A_81, %get3A_82] : memref<1024x768xbf16, #tpu.memory_space<vmem>>, vector<1024x768xbf16>
    %get3A_84 = arith.constant 0 : index
    %get3A_85 = arith.constant 0 : index
    %get3A_86 = vector.load %arg7[%get3A_84, %get3A_85] : memref<768x1024xbf16, #tpu.memory_space<vmem>>, vector<768x1024xbf16>
    %dot_general3A_87 = arith.constant dense<0.000000e+00> : vector<1024x1024xf32>
    %dot_general3A_88 = tpu.matmul %get3A_83, %get3A_86, %dot_general3A_87 {dimension_numbers = #tpu.dot_dimension_numbers<[1], [0], [0], [1], [0, 0, 1, 1], [], []>, transpose_lhs_hint = false} : vector<1024x768xbf16>, vector<768x1024xbf16>, vector<1024x1024xf32> -> vector<1024x1024xf32>
    %get3A_89 = arith.constant 0 : index
    %get3A_90 = arith.constant 0 : index
    %get3A_91 = vector.load %arg8[%get3A_89, %get3A_90] : memref<1x1024xf32, #tpu.memory_space<vmem>>, vector<1x1024xf32>
    %add3A_92 = vector.broadcast %get3A_91 : vector<1x1024xf32> to vector<1024x1024xf32>
    %add3A_93 = arith.addf %dot_general3A_88, %add3A_92 : vector<1024x1024xf32>
    %slice3A_94 = vector.extract_strided_slice %add3A_93 {offsets = [0, 0], sizes = [1024, 256], strides = [1, 1]} : vector<1024x1024xf32> to vector<1024x256xf32>
    %tanh3A_95 = math.tanh %slice3A_94 : vector<1024x256xf32>
    %mul3A_96 = arith.constant 5.000000e-01 : f32
    %mul3A_97 = vector.broadcast %mul3A_96 : f32 to vector<1024x256xf32>
    %mul3A_98 = arith.mulf %mul3A_97, %tanh3A_95 : vector<1024x256xf32>
    %add3A_99 = arith.constant 5.000000e-01 : f32
    %add3A_100 = vector.broadcast %add3A_99 : f32 to vector<1024x256xf32>
    %add3A_101 = arith.addf %mul3A_98, %add3A_100 : vector<1024x256xf32>
    %slice3A_102 = vector.extract_strided_slice %add3A_93 {offsets = [0, 256], sizes = [1024, 256], strides = [1, 1]} : vector<1024x1024xf32> to vector<1024x256xf32>
    %tanh3A_103 = math.tanh %slice3A_102 : vector<1024x256xf32>
    %mul3A_104 = arith.constant 5.000000e-01 : f32
    %mul3A_105 = vector.broadcast %mul3A_104 : f32 to vector<1024x256xf32>
    %mul3A_106 = arith.mulf %mul3A_105, %tanh3A_103 : vector<1024x256xf32>
    %add3A_107 = arith.constant 5.000000e-01 : f32
    %add3A_108 = vector.broadcast %add3A_107 : f32 to vector<1024x256xf32>
    %add3A_109 = arith.addf %mul3A_106, %add3A_108 : vector<1024x256xf32>
    %slice3A_110 = vector.extract_strided_slice %add3A_93 {offsets = [0, 512], sizes = [1024, 256], strides = [1, 1]} : vector<1024x1024xf32> to vector<1024x256xf32>
    %tanh3A_111 = math.tanh %slice3A_110 : vector<1024x256xf32>
    %slice3A_112 = vector.extract_strided_slice %add3A_93 {offsets = [0, 768], sizes = [1024, 256], strides = [1, 1]} : vector<1024x1024xf32> to vector<1024x256xf32>
    %tanh3A_113 = math.tanh %slice3A_112 : vector<1024x256xf32>
    %mul3A_114 = arith.constant 5.000000e-01 : f32
    %mul3A_115 = vector.broadcast %mul3A_114 : f32 to vector<1024x256xf32>
    %mul3A_116 = arith.mulf %mul3A_115, %tanh3A_113 : vector<1024x256xf32>
    %add3A_117 = arith.constant 5.000000e-01 : f32
    %add3A_118 = vector.broadcast %add3A_117 : f32 to vector<1024x256xf32>
    %add3A_119 = arith.addf %mul3A_116, %add3A_118 : vector<1024x256xf32>
    %get3A_120 = arith.constant 0 : index
    %get3A_121 = arith.constant 0 : index
    %get3A_122 = vector.load %arg15[%get3A_120, %get3A_121] : memref<1024x256xf32, #tpu.memory_space<vmem>>, vector<1024x256xf32>
    %mul3A_123 = arith.mulf %add3A_109, %get3A_122 : vector<1024x256xf32>
    %mul3A_124 = arith.mulf %add3A_101, %tanh3A_111 : vector<1024x256xf32>
    %add3A_125 = arith.addf %mul3A_123, %mul3A_124 : vector<1024x256xf32>
    %tanh3A_126 = math.tanh %add3A_125 : vector<1024x256xf32>
    %mul3A_127 = arith.mulf %add3A_119, %tanh3A_126 : vector<1024x256xf32>
    %swap3A_128 = arith.constant 0 : index
    %swap3A_129 = arith.constant 0 : index
    %swap3A_130 = vector.load %arg15[%swap3A_128, %swap3A_129] : memref<1024x256xf32, #tpu.memory_space<vmem>>, vector<1024x256xf32>
    tpu.vector_store %arg15[%swap3A_128, %swap3A_129], %add3A_125 {strides = array<i32>} : memref<1024x256xf32, #tpu.memory_space<vmem>>, vector<1024x256xf32>,
    %convert_element_type3A_131 = arith.truncf %mul3A_127 : vector<1024x256xf32> to vector<1024x256xbf16>
    %swap3A_132 = arith.constant 0 : index
    %swap3A_133 = arith.constant 512 : index
    %swap3A_134 = vector.load %arg14[%swap3A_132, %swap3A_133] : memref<1024x768xbf16, #tpu.memory_space<vmem>>, vector<1024x256xbf16>
    tpu.vector_store %arg14[%swap3A_132, %swap3A_133], %convert_element_type3A_131 {strides = array<i32>} : memref<1024x768xbf16, #tpu.memory_space<vmem>>, vector<1024x256xbf16>,
    %get3A_135 = arith.constant 1 : index
    %get3A_136 = arith.constant 0 : index
    %get3A_137 = arith.constant 0 : index
    %get3A_138 = vector.load %arg1[%get3A_135, %get3A_136, %get3A_137] : memref<5x1024x256xbf16, #tpu.memory_space<vmem>>, vector<1x1024x256xbf16>
    %get3A_139 = vector.shape_cast %get3A_138 : vector<1x1024x256xbf16> to vector<1024x256xbf16>
    %swap3A_140 = arith.constant 0 : index
    %swap3A_141 = arith.constant 0 : index
    %swap3A_142 = vector.load %arg12[%swap3A_140, %swap3A_141] : memref<1024x768xbf16, #tpu.memory_space<vmem>>, vector<1024x256xbf16>
    tpu.vector_store %arg12[%swap3A_140, %swap3A_141], %get3A_139 {strides = array<i32>} : memref<1024x768xbf16, #tpu.memory_space<vmem>>, vector<1024x256xbf16>,
    %get3A_143 = arith.constant 1 : index
    %get3A_144 = arith.constant 0 : index
    %get3A_145 = arith.constant 0 : index
    %get3A_146 = vector.load %arg2[%get3A_143, %get3A_144, %get3A_145] : memref<5x1024x256xbf16, #tpu.memory_space<vmem>>, vector<1x1024x256xbf16>
    %get3A_147 = vector.shape_cast %get3A_146 : vector<1x1024x256xbf16> to vector<1024x256xbf16>
    %swap3A_148 = arith.constant 0 : index
    %swap3A_149 = arith.constant 256 : index
    %swap3A_150 = vector.load %arg12[%swap3A_148, %swap3A_149] : memref<1024x768xbf16, #tpu.memory_space<vmem>>, vector<1024x256xbf16>
    tpu.vector_store %arg12[%swap3A_148, %swap3A_149], %get3A_147 {strides = array<i32>} : memref<1024x768xbf16, #tpu.memory_space<vmem>>, vector<1024x256xbf16>,
    %get3A_151 = arith.constant 3 : index
    %get3A_152 = arith.constant 0 : index
    %get3A_153 = arith.constant 0 : index
    %get3A_154 = vector.load %arg3[%get3A_151, %get3A_152, %get3A_153] : memref<5x1024x256xbf16, #tpu.memory_space<vmem>>, vector<1x1024x256xbf16>
    %get3A_155 = vector.shape_cast %get3A_154 : vector<1x1024x256xbf16> to vector<1024x256xbf16>
    %swap3A_156 = arith.constant 0 : index
    %swap3A_157 = arith.constant 0 : index
    %swap3A_158 = vector.load %arg14[%swap3A_156, %swap3A_157] : memref<1024x768xbf16, #tpu.memory_space<vmem>>, vector<1024x256xbf16>
    tpu.vector_store %arg14[%swap3A_156, %swap3A_157], %get3A_155 {strides = array<i32>} : memref<1024x768xbf16, #tpu.memory_space<vmem>>, vector<1024x256xbf16>,
    %get3A_159 = arith.constant 3 : index
    %get3A_160 = arith.constant 0 : index
    %get3A_161 = arith.constant 0 : index
    %get3A_162 = vector.load %arg4[%get3A_159, %get3A_160, %get3A_161] : memref<5x1024x256xbf16, #tpu.memory_space<vmem>>, vector<1x1024x256xbf16>
    %get3A_163 = vector.shape_cast %get3A_162 : vector<1x1024x256xbf16> to vector<1024x256xbf16>
    %swap3A_164 = arith.constant 0 : index
    %swap3A_165 = arith.constant 256 : index
    %swap3A_166 = vector.load %arg14[%swap3A_164, %swap3A_165] : memref<1024x768xbf16, #tpu.memory_space<vmem>>, vector<1024x256xbf16>
    tpu.vector_store %arg14[%swap3A_164, %swap3A_165], %get3A_163 {strides = array<i32>} : memref<1024x768xbf16, #tpu.memory_space<vmem>>, vector<1024x256xbf16>,
    %get3A_167 = arith.constant 0 : index
    %get3A_168 = arith.constant 0 : index
    %get3A_169 = vector.load %arg12[%get3A_167, %get3A_168] : memref<1024x768xbf16, #tpu.memory_space<vmem>>, vector<1024x768xbf16>
    %get3A_170 = arith.constant 0 : index
    %get3A_171 = arith.constant 0 : index
    %get3A_172 = vector.load %arg5[%get3A_170, %get3A_171] : memref<768x1024xbf16, #tpu.memory_space<vmem>>, vector<768x1024xbf16>
    %dot_general3A_173 = arith.constant dense<0.000000e+00> : vector<1024x1024xf32>
    %dot_general3A_174 = tpu.matmul %get3A_169, %get3A_172, %dot_general3A_173 {dimension_numbers = #tpu.dot_dimension_numbers<[1], [0], [0], [1], [0, 0, 1, 1], [], []>, transpose_lhs_hint = false} : vector<1024x768xbf16>, vector<768x1024xbf16>, vector<1024x1024xf32> -> vector<1024x1024xf32>
    %get3A_175 = arith.constant 0 : index
    %get3A_176 = arith.constant 0 : index
    %get3A_177 = vector.load %arg6[%get3A_175, %get3A_176] : memref<1x1024xf32, #tpu.memory_space<vmem>>, vector<1x1024xf32>
    %add3A_178 = vector.broadcast %get3A_177 : vector<1x1024xf32> to vector<1024x1024xf32>
    %add3A_179 = arith.addf %dot_general3A_174, %add3A_178 : vector<1024x1024xf32>
    %slice3A_180 = vector.extract_strided_slice %add3A_179 {offsets = [0, 0], sizes = [1024, 256], strides = [1, 1]} : vector<1024x1024xf32> to vector<1024x256xf32>
    %tanh3A_181 = math.tanh %slice3A_180 : vector<1024x256xf32>
    %mul3A_182 = arith.constant 5.000000e-01 : f32
    %mul3A_183 = vector.broadcast %mul3A_182 : f32 to vector<1024x256xf32>
    %mul3A_184 = arith.mulf %mul3A_183, %tanh3A_181 : vector<1024x256xf32>
    %add3A_185 = arith.constant 5.000000e-01 : f32
    %add3A_186 = vector.broadcast %add3A_185 : f32 to vector<1024x256xf32>
    %add3A_187 = arith.addf %mul3A_184, %add3A_186 : vector<1024x256xf32>
    %slice3A_188 = vector.extract_strided_slice %add3A_179 {offsets = [0, 256], sizes = [1024, 256], strides = [1, 1]} : vector<1024x1024xf32> to vector<1024x256xf32>
    %tanh3A_189 = math.tanh %slice3A_188 : vector<1024x256xf32>
    %mul3A_190 = arith.constant 5.000000e-01 : f32
    %mul3A_191 = vector.broadcast %mul3A_190 : f32 to vector<1024x256xf32>
    %mul3A_192 = arith.mulf %mul3A_191, %tanh3A_189 : vector<1024x256xf32>
    %add3A_193 = arith.constant 5.000000e-01 : f32
    %add3A_194 = vector.broadcast %add3A_193 : f32 to vector<1024x256xf32>
    %add3A_195 = arith.addf %mul3A_192, %add3A_194 : vector<1024x256xf32>
    %slice3A_196 = vector.extract_strided_slice %add3A_179 {offsets = [0, 512], sizes = [1024, 256], strides = [1, 1]} : vector<1024x1024xf32> to vector<1024x256xf32>
    %tanh3A_197 = math.tanh %slice3A_196 : vector<1024x256xf32>
    %slice3A_198 = vector.extract_strided_slice %add3A_179 {offsets = [0, 768], sizes = [1024, 256], strides = [1, 1]} : vector<1024x1024xf32> to vector<1024x256xf32>
    %tanh3A_199 = math.tanh %slice3A_198 : vector<1024x256xf32>
    %mul3A_200 = arith.constant 5.000000e-01 : f32
    %mul3A_201 = vector.broadcast %mul3A_200 : f32 to vector<1024x256xf32>
    %mul3A_202 = arith.mulf %mul3A_201, %tanh3A_199 : vector<1024x256xf32>
    %add3A_203 = arith.constant 5.000000e-01 : f32
    %add3A_204 = vector.broadcast %add3A_203 : f32 to vector<1024x256xf32>
    %add3A_205 = arith.addf %mul3A_202, %add3A_204 : vector<1024x256xf32>
    %get3A_206 = arith.constant 0 : index
    %get3A_207 = arith.constant 0 : index
    %get3A_208 = vector.load %arg13[%get3A_206, %get3A_207] : memref<1024x256xf32, #tpu.memory_space<vmem>>, vector<1024x256xf32>
    %mul3A_209 = arith.mulf %add3A_195, %get3A_208 : vector<1024x256xf32>
    %mul3A_210 = arith.mulf %add3A_187, %tanh3A_197 : vector<1024x256xf32>
    %add3A_211 = arith.addf %mul3A_209, %mul3A_210 : vector<1024x256xf32>
    %tanh3A_212 = math.tanh %add3A_211 : vector<1024x256xf32>
    %mul3A_213 = arith.mulf %add3A_205, %tanh3A_212 : vector<1024x256xf32>
    %swap3A_214 = arith.constant 0 : index
    %swap3A_215 = arith.constant 0 : index
    %swap3A_216 = vector.load %arg13[%swap3A_214, %swap3A_215] : memref<1024x256xf32, #tpu.memory_space<vmem>>, vector<1024x256xf32>
    tpu.vector_store %arg13[%swap3A_214, %swap3A_215], %add3A_211 {strides = array<i32>} : memref<1024x256xf32, #tpu.memory_space<vmem>>, vector<1024x256xf32>,
    %convert_element_type3A_217 = arith.truncf %mul3A_213 : vector<1024x256xf32> to vector<1024x256xbf16>
    %swap3A_218 = arith.constant 0 : index
    %swap3A_219 = arith.constant 512 : index
    %swap3A_220 = vector.load %arg12[%swap3A_218, %swap3A_219] : memref<1024x768xbf16, #tpu.memory_space<vmem>>, vector<1024x256xbf16>
    tpu.vector_store %arg12[%swap3A_218, %swap3A_219], %convert_element_type3A_217 {strides = array<i32>} : memref<1024x768xbf16, #tpu.memory_space<vmem>>, vector<1024x256xbf16>,
    %get3A_221 = arith.constant 0 : index
    %get3A_222 = arith.constant 0 : index
    %get3A_223 = vector.load %arg14[%get3A_221, %get3A_222] : memref<1024x768xbf16, #tpu.memory_space<vmem>>, vector<1024x768xbf16>
    %get3A_224 = arith.constant 0 : index
    %get3A_225 = arith.constant 0 : index
    %get3A_226 = vector.load %arg7[%get3A_224, %get3A_225] : memref<768x1024xbf16, #tpu.memory_space<vmem>>, vector<768x1024xbf16>
    %dot_general3A_227 = arith.constant dense<0.000000e+00> : vector<1024x1024xf32>
    %dot_general3A_228 = tpu.matmul %get3A_223, %get3A_226, %dot_general3A_227 {dimension_numbers = #tpu.dot_dimension_numbers<[1], [0], [0], [1], [0, 0, 1, 1], [], []>, transpose_lhs_hint = false} : vector<1024x768xbf16>, vector<768x1024xbf16>, vector<1024x1024xf32> -> vector<1024x1024xf32>
    %get3A_229 = arith.constant 0 : index
    %get3A_230 = arith.constant 0 : index
    %get3A_231 = vector.load %arg8[%get3A_229, %get3A_230] : memref<1x1024xf32, #tpu.memory_space<vmem>>, vector<1x1024xf32>
    %add3A_232 = vector.broadcast %get3A_231 : vector<1x1024xf32> to vector<1024x1024xf32>
    %add3A_233 = arith.addf %dot_general3A_228, %add3A_232 : vector<1024x1024xf32>
    %slice3A_234 = vector.extract_strided_slice %add3A_233 {offsets = [0, 0], sizes = [1024, 256], strides = [1, 1]} : vector<1024x1024xf32> to vector<1024x256xf32>
    %tanh3A_235 = math.tanh %slice3A_234 : vector<1024x256xf32>
    %mul3A_236 = arith.constant 5.000000e-01 : f32
    %mul3A_237 = vector.broadcast %mul3A_236 : f32 to vector<1024x256xf32>
    %mul3A_238 = arith.mulf %mul3A_237, %tanh3A_235 : vector<1024x256xf32>
    %add3A_239 = arith.constant 5.000000e-01 : f32
    %add3A_240 = vector.broadcast %add3A_239 : f32 to vector<1024x256xf32>
    %add3A_241 = arith.addf %mul3A_238, %add3A_240 : vector<1024x256xf32>
    %slice3A_242 = vector.extract_strided_slice %add3A_233 {offsets = [0, 256], sizes = [1024, 256], strides = [1, 1]} : vector<1024x1024xf32> to vector<1024x256xf32>
    %tanh3A_243 = math.tanh %slice3A_242 : vector<1024x256xf32>
    %mul3A_244 = arith.constant 5.000000e-01 : f32
    %mul3A_245 = vector.broadcast %mul3A_244 : f32 to vector<1024x256xf32>
    %mul3A_246 = arith.mulf %mul3A_245, %tanh3A_243 : vector<1024x256xf32>
    %add3A_247 = arith.constant 5.000000e-01 : f32
    %add3A_248 = vector.broadcast %add3A_247 : f32 to vector<1024x256xf32>
    %add3A_249 = arith.addf %mul3A_246, %add3A_248 : vector<1024x256xf32>
    %slice3A_250 = vector.extract_strided_slice %add3A_233 {offsets = [0, 512], sizes = [1024, 256], strides = [1, 1]} : vector<1024x1024xf32> to vector<1024x256xf32>
    %tanh3A_251 = math.tanh %slice3A_250 : vector<1024x256xf32>
    %slice3A_252 = vector.extract_strided_slice %add3A_233 {offsets = [0, 768], sizes = [1024, 256], strides = [1, 1]} : vector<1024x1024xf32> to vector<1024x256xf32>
    %tanh3A_253 = math.tanh %slice3A_252 : vector<1024x256xf32>
    %mul3A_254 = arith.constant 5.000000e-01 : f32
    %mul3A_255 = vector.broadcast %mul3A_254 : f32 to vector<1024x256xf32>
    %mul3A_256 = arith.mulf %mul3A_255, %tanh3A_253 : vector<1024x256xf32>
    %add3A_257 = arith.constant 5.000000e-01 : f32
    %add3A_258 = vector.broadcast %add3A_257 : f32 to vector<1024x256xf32>
    %add3A_259 = arith.addf %mul3A_256, %add3A_258 : vector<1024x256xf32>
    %get3A_260 = arith.constant 0 : index
    %get3A_261 = arith.constant 0 : index
    %get3A_262 = vector.load %arg15[%get3A_260, %get3A_261] : memref<1024x256xf32, #tpu.memory_space<vmem>>, vector<1024x256xf32>
    %mul3A_263 = arith.mulf %add3A_249, %get3A_262 : vector<1024x256xf32>
    %mul3A_264 = arith.mulf %add3A_241, %tanh3A_251 : vector<1024x256xf32>
    %add3A_265 = arith.addf %mul3A_263, %mul3A_264 : vector<1024x256xf32>
    %tanh3A_266 = math.tanh %add3A_265 : vector<1024x256xf32>
    %mul3A_267 = arith.mulf %add3A_259, %tanh3A_266 : vector<1024x256xf32>
    %swap3A_268 = arith.constant 0 : index
    %swap3A_269 = arith.constant 0 : index
    %swap3A_270 = vector.load %arg15[%swap3A_268, %swap3A_269] : memref<1024x256xf32, #tpu.memory_space<vmem>>, vector<1024x256xf32>
    tpu.vector_store %arg15[%swap3A_268, %swap3A_269], %add3A_265 {strides = array<i32>} : memref<1024x256xf32, #tpu.memory_space<vmem>>, vector<1024x256xf32>,
    %convert_element_type3A_271 = arith.truncf %mul3A_267 : vector<1024x256xf32> to vector<1024x256xbf16>
    %swap3A_272 = arith.constant 0 : index
    %swap3A_273 = arith.constant 512 : index
    %swap3A_274 = vector.load %arg14[%swap3A_272, %swap3A_273] : memref<1024x768xbf16, #tpu.memory_space<vmem>>, vector<1024x256xbf16>
    tpu.vector_store %arg14[%swap3A_272, %swap3A_273], %convert_element_type3A_271 {strides = array<i32>} : memref<1024x768xbf16, #tpu.memory_space<vmem>>, vector<1024x256xbf16>,
    %get3A_275 = arith.constant 2 : index
    %get3A_276 = arith.constant 0 : index
    %get3A_277 = arith.constant 0 : index
    %get3A_278 = vector.load %arg1[%get3A_275, %get3A_276, %get3A_277] : memref<5x1024x256xbf16, #tpu.memory_space<vmem>>, vector<1x1024x256xbf16>
    %get3A_279 = vector.shape_cast %get3A_278 : vector<1x1024x256xbf16> to vector<1024x256xbf16>
    %swap3A_280 = arith.constant 0 : index
    %swap3A_281 = arith.constant 0 : index
    %swap3A_282 = vector.load %arg12[%swap3A_280, %swap3A_281] : memref<1024x768xbf16, #tpu.memory_space<vmem>>, vector<1024x256xbf16>
    tpu.vector_store %arg12[%swap3A_280, %swap3A_281], %get3A_279 {strides = array<i32>} : memref<1024x768xbf16, #tpu.memory_space<vmem>>, vector<1024x256xbf16>,
    %get3A_283 = arith.constant 2 : index
    %get3A_284 = arith.constant 0 : index
    %get3A_285 = arith.constant 0 : index
    %get3A_286 = vector.load %arg2[%get3A_283, %get3A_284, %get3A_285] : memref<5x1024x256xbf16, #tpu.memory_space<vmem>>, vector<1x1024x256xbf16>
    %get3A_287 = vector.shape_cast %get3A_286 : vector<1x1024x256xbf16> to vector<1024x256xbf16>
    %swap3A_288 = arith.constant 0 : index
    %swap3A_289 = arith.constant 256 : index
    %swap3A_290 = vector.load %arg12[%swap3A_288, %swap3A_289] : memref<1024x768xbf16, #tpu.memory_space<vmem>>, vector<1024x256xbf16>
    tpu.vector_store %arg12[%swap3A_288, %swap3A_289], %get3A_287 {strides = array<i32>} : memref<1024x768xbf16, #tpu.memory_space<vmem>>, vector<1024x256xbf16>,
    %get3A_291 = arith.constant 2 : index
    %get3A_292 = arith.constant 0 : index
    %get3A_293 = arith.constant 0 : index
    %get3A_294 = vector.load %arg3[%get3A_291, %get3A_292, %get3A_293] : memref<5x1024x256xbf16, #tpu.memory_space<vmem>>, vector<1x1024x256xbf16>
    %get3A_295 = vector.shape_cast %get3A_294 : vector<1x1024x256xbf16> to vector<1024x256xbf16>
    %swap3A_296 = arith.constant 0 : index
    %swap3A_297 = arith.constant 0 : index
    %swap3A_298 = vector.load %arg14[%swap3A_296, %swap3A_297] : memref<1024x768xbf16, #tpu.memory_space<vmem>>, vector<1024x256xbf16>
    tpu.vector_store %arg14[%swap3A_296, %swap3A_297], %get3A_295 {strides = array<i32>} : memref<1024x768xbf16, #tpu.memory_space<vmem>>, vector<1024x256xbf16>,
    %get3A_299 = arith.constant 2 : index
    %get3A_300 = arith.constant 0 : index
    %get3A_301 = arith.constant 0 : index
    %get3A_302 = vector.load %arg4[%get3A_299, %get3A_300, %get3A_301] : memref<5x1024x256xbf16, #tpu.memory_space<vmem>>, vector<1x1024x256xbf16>
    %get3A_303 = vector.shape_cast %get3A_302 : vector<1x1024x256xbf16> to vector<1024x256xbf16>
    %swap3A_304 = arith.constant 0 : index
    %swap3A_305 = arith.constant 256 : index
    %swap3A_306 = vector.load %arg14[%swap3A_304, %swap3A_305] : memref<1024x768xbf16, #tpu.memory_space<vmem>>, vector<1024x256xbf16>
    tpu.vector_store %arg14[%swap3A_304, %swap3A_305], %get3A_303 {strides = array<i32>} : memref<1024x768xbf16, #tpu.memory_space<vmem>>, vector<1024x256xbf16>,
    %get3A_307 = arith.constant 0 : index
    %get3A_308 = arith.constant 0 : index
    %get3A_309 = vector.load %arg12[%get3A_307, %get3A_308] : memref<1024x768xbf16, #tpu.memory_space<vmem>>, vector<1024x768xbf16>
    %get3A_310 = arith.constant 0 : index
    %get3A_311 = arith.constant 0 : index
    %get3A_312 = vector.load %arg5[%get3A_310, %get3A_311] : memref<768x1024xbf16, #tpu.memory_space<vmem>>, vector<768x1024xbf16>
    %dot_general3A_313 = arith.constant dense<0.000000e+00> : vector<1024x1024xf32>
    %dot_general3A_314 = tpu.matmul %get3A_309, %get3A_312, %dot_general3A_313 {dimension_numbers = #tpu.dot_dimension_numbers<[1], [0], [0], [1], [0, 0, 1, 1], [], []>, transpose_lhs_hint = false} : vector<1024x768xbf16>, vector<768x1024xbf16>, vector<1024x1024xf32> -> vector<1024x1024xf32>
    %get3A_315 = arith.constant 0 : index
    %get3A_316 = arith.constant 0 : index
    %get3A_317 = vector.load %arg6[%get3A_315, %get3A_316] : memref<1x1024xf32, #tpu.memory_space<vmem>>, vector<1x1024xf32>
    %add3A_318 = vector.broadcast %get3A_317 : vector<1x1024xf32> to vector<1024x1024xf32>
    %add3A_319 = arith.addf %dot_general3A_314, %add3A_318 : vector<1024x1024xf32>
    %slice3A_320 = vector.extract_strided_slice %add3A_319 {offsets = [0, 0], sizes = [1024, 256], strides = [1, 1]} : vector<1024x1024xf32> to vector<1024x256xf32>
    %tanh3A_321 = math.tanh %slice3A_320 : vector<1024x256xf32>
    %mul3A_322 = arith.constant 5.000000e-01 : f32
    %mul3A_323 = vector.broadcast %mul3A_322 : f32 to vector<1024x256xf32>
    %mul3A_324 = arith.mulf %mul3A_323, %tanh3A_321 : vector<1024x256xf32>
    %add3A_325 = arith.constant 5.000000e-01 : f32
    %add3A_326 = vector.broadcast %add3A_325 : f32 to vector<1024x256xf32>
    %add3A_327 = arith.addf %mul3A_324, %add3A_326 : vector<1024x256xf32>
    %slice3A_328 = vector.extract_strided_slice %add3A_319 {offsets = [0, 256], sizes = [1024, 256], strides = [1, 1]} : vector<1024x1024xf32> to vector<1024x256xf32>
    %tanh3A_329 = math.tanh %slice3A_328 : vector<1024x256xf32>
    %mul3A_330 = arith.constant 5.000000e-01 : f32
    %mul3A_331 = vector.broadcast %mul3A_330 : f32 to vector<1024x256xf32>
    %mul3A_332 = arith.mulf %mul3A_331, %tanh3A_329 : vector<1024x256xf32>
    %add3A_333 = arith.constant 5.000000e-01 : f32
    %add3A_334 = vector.broadcast %add3A_333 : f32 to vector<1024x256xf32>
    %add3A_335 = arith.addf %mul3A_332, %add3A_334 : vector<1024x256xf32>
    %slice3A_336 = vector.extract_strided_slice %add3A_319 {offsets = [0, 512], sizes = [1024, 256], strides = [1, 1]} : vector<1024x1024xf32> to vector<1024x256xf32>
    %tanh3A_337 = math.tanh %slice3A_336 : vector<1024x256xf32>
    %slice3A_338 = vector.extract_strided_slice %add3A_319 {offsets = [0, 768], sizes = [1024, 256], strides = [1, 1]} : vector<1024x1024xf32> to vector<1024x256xf32>
    %tanh3A_339 = math.tanh %slice3A_338 : vector<1024x256xf32>
    %mul3A_340 = arith.constant 5.000000e-01 : f32
    %mul3A_341 = vector.broadcast %mul3A_340 : f32 to vector<1024x256xf32>
    %mul3A_342 = arith.mulf %mul3A_341, %tanh3A_339 : vector<1024x256xf32>
    %add3A_343 = arith.constant 5.000000e-01 : f32
    %add3A_344 = vector.broadcast %add3A_343 : f32 to vector<1024x256xf32>
    %add3A_345 = arith.addf %mul3A_342, %add3A_344 : vector<1024x256xf32>
    %get3A_346 = arith.constant 0 : index
    %get3A_347 = arith.constant 0 : index
    %get3A_348 = vector.load %arg13[%get3A_346, %get3A_347] : memref<1024x256xf32, #tpu.memory_space<vmem>>, vector<1024x256xf32>
    %mul3A_349 = arith.mulf %add3A_335, %get3A_348 : vector<1024x256xf32>
    %mul3A_350 = arith.mulf %add3A_327, %tanh3A_337 : vector<1024x256xf32>
    %add3A_351 = arith.addf %mul3A_349, %mul3A_350 : vector<1024x256xf32>
    %tanh3A_352 = math.tanh %add3A_351 : vector<1024x256xf32>
    %mul3A_353 = arith.mulf %add3A_345, %tanh3A_352 : vector<1024x256xf32>
    %swap3A_354 = arith.constant 0 : index
    %swap3A_355 = arith.constant 0 : index
    %swap3A_356 = vector.load %arg13[%swap3A_354, %swap3A_355] : memref<1024x256xf32, #tpu.memory_space<vmem>>, vector<1024x256xf32>
    tpu.vector_store %arg13[%swap3A_354, %swap3A_355], %add3A_351 {strides = array<i32>} : memref<1024x256xf32, #tpu.memory_space<vmem>>, vector<1024x256xf32>,
    %convert_element_type3A_357 = arith.truncf %mul3A_353 : vector<1024x256xf32> to vector<1024x256xbf16>
    %swap3A_358 = arith.constant 0 : index
    %swap3A_359 = arith.constant 512 : index
    %swap3A_360 = vector.load %arg12[%swap3A_358, %swap3A_359] : memref<1024x768xbf16, #tpu.memory_space<vmem>>, vector<1024x256xbf16>
    tpu.vector_store %arg12[%swap3A_358, %swap3A_359], %convert_element_type3A_357 {strides = array<i32>} : memref<1024x768xbf16, #tpu.memory_space<vmem>>, vector<1024x256xbf16>,
    %get3A_361 = arith.constant 0 : index
    %get3A_362 = arith.constant 0 : index
    %get3A_363 = vector.load %arg14[%get3A_361, %get3A_362] : memref<1024x768xbf16, #tpu.memory_space<vmem>>, vector<1024x768xbf16>
    %get3A_364 = arith.constant 0 : index
    %get3A_365 = arith.constant 0 : index
    %get3A_366 = vector.load %arg7[%get3A_364, %get3A_365] : memref<768x1024xbf16, #tpu.memory_space<vmem>>, vector<768x1024xbf16>
    %dot_general3A_367 = arith.constant dense<0.000000e+00> : vector<1024x1024xf32>
    %dot_general3A_368 = tpu.matmul %get3A_363, %get3A_366, %dot_general3A_367 {dimension_numbers = #tpu.dot_dimension_numbers<[1], [0], [0], [1], [0, 0, 1, 1], [], []>, transpose_lhs_hint = false} : vector<1024x768xbf16>, vector<768x1024xbf16>, vector<1024x1024xf32> -> vector<1024x1024xf32>
    %get3A_369 = arith.constant 0 : index
    %get3A_370 = arith.constant 0 : index
    %get3A_371 = vector.load %arg8[%get3A_369, %get3A_370] : memref<1x1024xf32, #tpu.memory_space<vmem>>, vector<1x1024xf32>
    %add3A_372 = vector.broadcast %get3A_371 : vector<1x1024xf32> to vector<1024x1024xf32>
    %add3A_373 = arith.addf %dot_general3A_368, %add3A_372 : vector<1024x1024xf32>
    %slice3A_374 = vector.extract_strided_slice %add3A_373 {offsets = [0, 0], sizes = [1024, 256], strides = [1, 1]} : vector<1024x1024xf32> to vector<1024x256xf32>
    %tanh3A_375 = math.tanh %slice3A_374 : vector<1024x256xf32>
    %mul3A_376 = arith.constant 5.000000e-01 : f32
    %mul3A_377 = vector.broadcast %mul3A_376 : f32 to vector<1024x256xf32>
    %mul3A_378 = arith.mulf %mul3A_377, %tanh3A_375 : vector<1024x256xf32>
    %add3A_379 = arith.constant 5.000000e-01 : f32
    %add3A_380 = vector.broadcast %add3A_379 : f32 to vector<1024x256xf32>
    %add3A_381 = arith.addf %mul3A_378, %add3A_380 : vector<1024x256xf32>
    %slice3A_382 = vector.extract_strided_slice %add3A_373 {offsets = [0, 256], sizes = [1024, 256], strides = [1, 1]} : vector<1024x1024xf32> to vector<1024x256xf32>
    %tanh3A_383 = math.tanh %slice3A_382 : vector<1024x256xf32>
    %mul3A_384 = arith.constant 5.000000e-01 : f32
    %mul3A_385 = vector.broadcast %mul3A_384 : f32 to vector<1024x256xf32>
    %mul3A_386 = arith.mulf %mul3A_385, %tanh3A_383 : vector<1024x256xf32>
    %add3A_387 = arith.constant 5.000000e-01 : f32
    %add3A_388 = vector.broadcast %add3A_387 : f32 to vector<1024x256xf32>
    %add3A_389 = arith.addf %mul3A_386, %add3A_388 : vector<1024x256xf32>
    %slice3A_390 = vector.extract_strided_slice %add3A_373 {offsets = [0, 512], sizes = [1024, 256], strides = [1, 1]} : vector<1024x1024xf32> to vector<1024x256xf32>
    %tanh3A_391 = math.tanh %slice3A_390 : vector<1024x256xf32>
    %slice3A_392 = vector.extract_strided_slice %add3A_373 {offsets = [0, 768], sizes = [1024, 256], strides = [1, 1]} : vector<1024x1024xf32> to vector<1024x256xf32>
    %tanh3A_393 = math.tanh %slice3A_392 : vector<1024x256xf32>
    %mul3A_394 = arith.constant 5.000000e-01 : f32
    %mul3A_395 = vector.broadcast %mul3A_394 : f32 to vector<1024x256xf32>
    %mul3A_396 = arith.mulf %mul3A_395, %tanh3A_393 : vector<1024x256xf32>
    %add3A_397 = arith.constant 5.000000e-01 : f32
    %add3A_398 = vector.broadcast %add3A_397 : f32 to vector<1024x256xf32>
    %add3A_399 = arith.addf %mul3A_396, %add3A_398 : vector<1024x256xf32>
    %get3A_400 = arith.constant 0 : index
    %get3A_401 = arith.constant 0 : index
    %get3A_402 = vector.load %arg15[%get3A_400, %get3A_401] : memref<1024x256xf32, #tpu.memory_space<vmem>>, vector<1024x256xf32>
    %mul3A_403 = arith.mulf %add3A_389, %get3A_402 : vector<1024x256xf32>
    %mul3A_404 = arith.mulf %add3A_381, %tanh3A_391 : vector<1024x256xf32>
    %add3A_405 = arith.addf %mul3A_403, %mul3A_404 : vector<1024x256xf32>
    %tanh3A_406 = math.tanh %add3A_405 : vector<1024x256xf32>
    %mul3A_407 = arith.mulf %add3A_399, %tanh3A_406 : vector<1024x256xf32>
    %swap3A_408 = arith.constant 0 : index
    %swap3A_409 = arith.constant 0 : index
    %swap3A_410 = vector.load %arg15[%swap3A_408, %swap3A_409] : memref<1024x256xf32, #tpu.memory_space<vmem>>, vector<1024x256xf32>
    tpu.vector_store %arg15[%swap3A_408, %swap3A_409], %add3A_405 {strides = array<i32>} : memref<1024x256xf32, #tpu.memory_space<vmem>>, vector<1024x256xf32>,
    %convert_element_type3A_411 = arith.truncf %mul3A_407 : vector<1024x256xf32> to vector<1024x256xbf16>
    %swap3A_412 = arith.constant 0 : index
    %swap3A_413 = arith.constant 512 : index
    %swap3A_414 = vector.load %arg14[%swap3A_412, %swap3A_413] : memref<1024x768xbf16, #tpu.memory_space<vmem>>, vector<1024x256xbf16>
    tpu.vector_store %arg14[%swap3A_412, %swap3A_413], %convert_element_type3A_411 {strides = array<i32>} : memref<1024x768xbf16, #tpu.memory_space<vmem>>, vector<1024x256xbf16>,
    %get3A_415 = arith.constant 3 : index
    %get3A_416 = arith.constant 0 : index
    %get3A_417 = arith.constant 0 : index
    %get3A_418 = vector.load %arg1[%get3A_415, %get3A_416, %get3A_417] : memref<5x1024x256xbf16, #tpu.memory_space<vmem>>, vector<1x1024x256xbf16>
    %get3A_419 = vector.shape_cast %get3A_418 : vector<1x1024x256xbf16> to vector<1024x256xbf16>
    %swap3A_420 = arith.constant 0 : index
    %swap3A_421 = arith.constant 0 : index
    %swap3A_422 = vector.load %arg12[%swap3A_420, %swap3A_421] : memref<1024x768xbf16, #tpu.memory_space<vmem>>, vector<1024x256xbf16>
    tpu.vector_store %arg12[%swap3A_420, %swap3A_421], %get3A_419 {strides = array<i32>} : memref<1024x768xbf16, #tpu.memory_space<vmem>>, vector<1024x256xbf16>,
    %get3A_423 = arith.constant 3 : index
    %get3A_424 = arith.constant 0 : index
    %get3A_425 = arith.constant 0 : index
    %get3A_426 = vector.load %arg2[%get3A_423, %get3A_424, %get3A_425] : memref<5x1024x256xbf16, #tpu.memory_space<vmem>>, vector<1x1024x256xbf16>
    %get3A_427 = vector.shape_cast %get3A_426 : vector<1x1024x256xbf16> to vector<1024x256xbf16>
    %swap3A_428 = arith.constant 0 : index
    %swap3A_429 = arith.constant 256 : index
    %swap3A_430 = vector.load %arg12[%swap3A_428, %swap3A_429] : memref<1024x768xbf16, #tpu.memory_space<vmem>>, vector<1024x256xbf16>
    tpu.vector_store %arg12[%swap3A_428, %swap3A_429], %get3A_427 {strides = array<i32>} : memref<1024x768xbf16, #tpu.memory_space<vmem>>, vector<1024x256xbf16>,
    %get3A_431 = arith.constant 1 : index
    %get3A_432 = arith.constant 0 : index
    %get3A_433 = arith.constant 0 : index
    %get3A_434 = vector.load %arg3[%get3A_431, %get3A_432, %get3A_433] : memref<5x1024x256xbf16, #tpu.memory_space<vmem>>, vector<1x1024x256xbf16>
    %get3A_435 = vector.shape_cast %get3A_434 : vector<1x1024x256xbf16> to vector<1024x256xbf16>
    %swap3A_436 = arith.constant 0 : index
    %swap3A_437 = arith.constant 0 : index
    %swap3A_438 = vector.load %arg14[%swap3A_436, %swap3A_437] : memref<1024x768xbf16, #tpu.memory_space<vmem>>, vector<1024x256xbf16>
    tpu.vector_store %arg14[%swap3A_436, %swap3A_437], %get3A_435 {strides = array<i32>} : memref<1024x768xbf16, #tpu.memory_space<vmem>>, vector<1024x256xbf16>,
    %get3A_439 = arith.constant 1 : index
    %get3A_440 = arith.constant 0 : index
    %get3A_441 = arith.constant 0 : index
    %get3A_442 = vector.load %arg4[%get3A_439, %get3A_440, %get3A_441] : memref<5x1024x256xbf16, #tpu.memory_space<vmem>>, vector<1x1024x256xbf16>
    %get3A_443 = vector.shape_cast %get3A_442 : vector<1x1024x256xbf16> to vector<1024x256xbf16>
    %swap3A_444 = arith.constant 0 : index
    %swap3A_445 = arith.constant 256 : index
    %swap3A_446 = vector.load %arg14[%swap3A_444, %swap3A_445] : memref<1024x768xbf16, #tpu.memory_space<vmem>>, vector<1024x256xbf16>
    tpu.vector_store %arg14[%swap3A_444, %swap3A_445], %get3A_443 {strides = array<i32>} : memref<1024x768xbf16, #tpu.memory_space<vmem>>, vector<1024x256xbf16>,
    %get3A_447 = arith.constant 0 : index
    %get3A_448 = arith.constant 0 : index
    %get3A_449 = vector.load %arg12[%get3A_447, %get3A_448] : memref<1024x768xbf16, #tpu.memory_space<vmem>>, vector<1024x768xbf16>
    %get3A_450 = arith.constant 0 : index
    %get3A_451 = arith.constant 0 : index
    %get3A_452 = vector.load %arg5[%get3A_450, %get3A_451] : memref<768x1024xbf16, #tpu.memory_space<vmem>>, vector<768x1024xbf16>
    %dot_general3A_453 = arith.constant dense<0.000000e+00> : vector<1024x1024xf32>
    %dot_general3A_454 = tpu.matmul %get3A_449, %get3A_452, %dot_general3A_453 {dimension_numbers = #tpu.dot_dimension_numbers<[1], [0], [0], [1], [0, 0, 1, 1], [], []>, transpose_lhs_hint = false} : vector<1024x768xbf16>, vector<768x1024xbf16>, vector<1024x1024xf32> -> vector<1024x1024xf32>
    %get3A_455 = arith.constant 0 : index
    %get3A_456 = arith.constant 0 : index
    %get3A_457 = vector.load %arg6[%get3A_455, %get3A_456] : memref<1x1024xf32, #tpu.memory_space<vmem>>, vector<1x1024xf32>
    %add3A_458 = vector.broadcast %get3A_457 : vector<1x1024xf32> to vector<1024x1024xf32>
    %add3A_459 = arith.addf %dot_general3A_454, %add3A_458 : vector<1024x1024xf32>
    %slice3A_460 = vector.extract_strided_slice %add3A_459 {offsets = [0, 0], sizes = [1024, 256], strides = [1, 1]} : vector<1024x1024xf32> to vector<1024x256xf32>
    %tanh3A_461 = math.tanh %slice3A_460 : vector<1024x256xf32>
    %mul3A_462 = arith.constant 5.000000e-01 : f32
    %mul3A_463 = vector.broadcast %mul3A_462 : f32 to vector<1024x256xf32>
    %mul3A_464 = arith.mulf %mul3A_463, %tanh3A_461 : vector<1024x256xf32>
    %add3A_465 = arith.constant 5.000000e-01 : f32
    %add3A_466 = vector.broadcast %add3A_465 : f32 to vector<1024x256xf32>
    %add3A_467 = arith.addf %mul3A_464, %add3A_466 : vector<1024x256xf32>
    %slice3A_468 = vector.extract_strided_slice %add3A_459 {offsets = [0, 256], sizes = [1024, 256], strides = [1, 1]} : vector<1024x1024xf32> to vector<1024x256xf32>
    %tanh3A_469 = math.tanh %slice3A_468 : vector<1024x256xf32>
    %mul3A_470 = arith.constant 5.000000e-01 : f32
    %mul3A_471 = vector.broadcast %mul3A_470 : f32 to vector<1024x256xf32>
    %mul3A_472 = arith.mulf %mul3A_471, %tanh3A_469 : vector<1024x256xf32>
    %add3A_473 = arith.constant 5.000000e-01 : f32
    %add3A_474 = vector.broadcast %add3A_473 : f32 to vector<1024x256xf32>
    %add3A_475 = arith.addf %mul3A_472, %add3A_474 : vector<1024x256xf32>
    %slice3A_476 = vector.extract_strided_slice %add3A_459 {offsets = [0, 512], sizes = [1024, 256], strides = [1, 1]} : vector<1024x1024xf32> to vector<1024x256xf32>
    %tanh3A_477 = math.tanh %slice3A_476 : vector<1024x256xf32>
    %slice3A_478 = vector.extract_strided_slice %add3A_459 {offsets = [0, 768], sizes = [1024, 256], strides = [1, 1]} : vector<1024x1024xf32> to vector<1024x256xf32>
    %tanh3A_479 = math.tanh %slice3A_478 : vector<1024x256xf32>
    %mul3A_480 = arith.constant 5.000000e-01 : f32
    %mul3A_481 = vector.broadcast %mul3A_480 : f32 to vector<1024x256xf32>
    %mul3A_482 = arith.mulf %mul3A_481, %tanh3A_479 : vector<1024x256xf32>
    %add3A_483 = arith.constant 5.000000e-01 : f32
    %add3A_484 = vector.broadcast %add3A_483 : f32 to vector<1024x256xf32>
    %add3A_485 = arith.addf %mul3A_482, %add3A_484 : vector<1024x256xf32>
    %get3A_486 = arith.constant 0 : index
    %get3A_487 = arith.constant 0 : index
    %get3A_488 = vector.load %arg13[%get3A_486, %get3A_487] : memref<1024x256xf32, #tpu.memory_space<vmem>>, vector<1024x256xf32>
    %mul3A_489 = arith.mulf %add3A_475, %get3A_488 : vector<1024x256xf32>
    %mul3A_490 = arith.mulf %add3A_467, %tanh3A_477 : vector<1024x256xf32>
    %add3A_491 = arith.addf %mul3A_489, %mul3A_490 : vector<1024x256xf32>
    %tanh3A_492 = math.tanh %add3A_491 : vector<1024x256xf32>
    %mul3A_493 = arith.mulf %add3A_485, %tanh3A_492 : vector<1024x256xf32>
    %swap3A_494 = arith.constant 0 : index
    %swap3A_495 = arith.constant 0 : index
    %swap3A_496 = vector.load %arg13[%swap3A_494, %swap3A_495] : memref<1024x256xf32, #tpu.memory_space<vmem>>, vector<1024x256xf32>
    tpu.vector_store %arg13[%swap3A_494, %swap3A_495], %add3A_491 {strides = array<i32>} : memref<1024x256xf32, #tpu.memory_space<vmem>>, vector<1024x256xf32>,
    %convert_element_type3A_497 = arith.truncf %mul3A_493 : vector<1024x256xf32> to vector<1024x256xbf16>
    %swap3A_498 = arith.constant 0 : index
    %swap3A_499 = arith.constant 512 : index
    %swap3A_500 = vector.load %arg12[%swap3A_498, %swap3A_499] : memref<1024x768xbf16, #tpu.memory_space<vmem>>, vector<1024x256xbf16>
    tpu.vector_store %arg12[%swap3A_498, %swap3A_499], %convert_element_type3A_497 {strides = array<i32>} : memref<1024x768xbf16, #tpu.memory_space<vmem>>, vector<1024x256xbf16>,
    %get3A_501 = arith.constant 0 : index
    %get3A_502 = arith.constant 0 : index
    %get3A_503 = vector.load %arg14[%get3A_501, %get3A_502] : memref<1024x768xbf16, #tpu.memory_space<vmem>>, vector<1024x768xbf16>
    %get3A_504 = arith.constant 0 : index
    %get3A_505 = arith.constant 0 : index
    %get3A_506 = vector.load %arg7[%get3A_504, %get3A_505] : memref<768x1024xbf16, #tpu.memory_space<vmem>>, vector<768x1024xbf16>
    %dot_general3A_507 = arith.constant dense<0.000000e+00> : vector<1024x1024xf32>
    %dot_general3A_508 = tpu.matmul %get3A_503, %get3A_506, %dot_general3A_507 {dimension_numbers = #tpu.dot_dimension_numbers<[1], [0], [0], [1], [0, 0, 1, 1], [], []>, transpose_lhs_hint = false} : vector<1024x768xbf16>, vector<768x1024xbf16>, vector<1024x1024xf32> -> vector<1024x1024xf32>
    %get3A_509 = arith.constant 0 : index
    %get3A_510 = arith.constant 0 : index
    %get3A_511 = vector.load %arg8[%get3A_509, %get3A_510] : memref<1x1024xf32, #tpu.memory_space<vmem>>, vector<1x1024xf32>
    %add3A_512 = vector.broadcast %get3A_511 : vector<1x1024xf32> to vector<1024x1024xf32>
    %add3A_513 = arith.addf %dot_general3A_508, %add3A_512 : vector<1024x1024xf32>
    %slice3A_514 = vector.extract_strided_slice %add3A_513 {offsets = [0, 0], sizes = [1024, 256], strides = [1, 1]} : vector<1024x1024xf32> to vector<1024x256xf32>
    %tanh3A_515 = math.tanh %slice3A_514 : vector<1024x256xf32>
    %mul3A_516 = arith.constant 5.000000e-01 : f32
    %mul3A_517 = vector.broadcast %mul3A_516 : f32 to vector<1024x256xf32>
    %mul3A_518 = arith.mulf %mul3A_517, %tanh3A_515 : vector<1024x256xf32>
    %add3A_519 = arith.constant 5.000000e-01 : f32
    %add3A_520 = vector.broadcast %add3A_519 : f32 to vector<1024x256xf32>
    %add3A_521 = arith.addf %mul3A_518, %add3A_520 : vector<1024x256xf32>
    %slice3A_522 = vector.extract_strided_slice %add3A_513 {offsets = [0, 256], sizes = [1024, 256], strides = [1, 1]} : vector<1024x1024xf32> to vector<1024x256xf32>
    %tanh3A_523 = math.tanh %slice3A_522 : vector<1024x256xf32>
    %mul3A_524 = arith.constant 5.000000e-01 : f32
    %mul3A_525 = vector.broadcast %mul3A_524 : f32 to vector<1024x256xf32>
    %mul3A_526 = arith.mulf %mul3A_525, %tanh3A_523 : vector<1024x256xf32>
    %add3A_527 = arith.constant 5.000000e-01 : f32
    %add3A_528 = vector.broadcast %add3A_527 : f32 to vector<1024x256xf32>
    %add3A_529 = arith.addf %mul3A_526, %add3A_528 : vector<1024x256xf32>
    %slice3A_530 = vector.extract_strided_slice %add3A_513 {offsets = [0, 512], sizes = [1024, 256], strides = [1, 1]} : vector<1024x1024xf32> to vector<1024x256xf32>
    %tanh3A_531 = math.tanh %slice3A_530 : vector<1024x256xf32>
    %slice3A_532 = vector.extract_strided_slice %add3A_513 {offsets = [0, 768], sizes = [1024, 256], strides = [1, 1]} : vector<1024x1024xf32> to vector<1024x256xf32>
    %tanh3A_533 = math.tanh %slice3A_532 : vector<1024x256xf32>
    %mul3A_534 = arith.constant 5.000000e-01 : f32
    %mul3A_535 = vector.broadcast %mul3A_534 : f32 to vector<1024x256xf32>
    %mul3A_536 = arith.mulf %mul3A_535, %tanh3A_533 : vector<1024x256xf32>
    %add3A_537 = arith.constant 5.000000e-01 : f32
    %add3A_538 = vector.broadcast %add3A_537 : f32 to vector<1024x256xf32>
    %add3A_539 = arith.addf %mul3A_536, %add3A_538 : vector<1024x256xf32>
    %get3A_540 = arith.constant 0 : index
    %get3A_541 = arith.constant 0 : index
    %get3A_542 = vector.load %arg15[%get3A_540, %get3A_541] : memref<1024x256xf32, #tpu.memory_space<vmem>>, vector<1024x256xf32>
    %mul3A_543 = arith.mulf %add3A_529, %get3A_542 : vector<1024x256xf32>
    %mul3A_544 = arith.mulf %add3A_521, %tanh3A_531 : vector<1024x256xf32>
    %add3A_545 = arith.addf %mul3A_543, %mul3A_544 : vector<1024x256xf32>
    %tanh3A_546 = math.tanh %add3A_545 : vector<1024x256xf32>
    %mul3A_547 = arith.mulf %add3A_539, %tanh3A_546 : vector<1024x256xf32>
    %swap3A_548 = arith.constant 0 : index
    %swap3A_549 = arith.constant 0 : index
    %swap3A_550 = vector.load %arg15[%swap3A_548, %swap3A_549] : memref<1024x256xf32, #tpu.memory_space<vmem>>, vector<1024x256xf32>
    tpu.vector_store %arg15[%swap3A_548, %swap3A_549], %add3A_545 {strides = array<i32>} : memref<1024x256xf32, #tpu.memory_space<vmem>>, vector<1024x256xf32>,
    %convert_element_type3A_551 = arith.truncf %mul3A_547 : vector<1024x256xf32> to vector<1024x256xbf16>
    %swap3A_552 = arith.constant 0 : index
    %swap3A_553 = arith.constant 512 : index
    %swap3A_554 = vector.load %arg14[%swap3A_552, %swap3A_553] : memref<1024x768xbf16, #tpu.memory_space<vmem>>, vector<1024x256xbf16>
    tpu.vector_store %arg14[%swap3A_552, %swap3A_553], %convert_element_type3A_551 {strides = array<i32>} : memref<1024x768xbf16, #tpu.memory_space<vmem>>, vector<1024x256xbf16>,
    %get3A_555 = arith.constant 4 : index
    %get3A_556 = arith.constant 0 : index
    %get3A_557 = arith.constant 0 : index
    %get3A_558 = vector.load %arg1[%get3A_555, %get3A_556, %get3A_557] : memref<5x1024x256xbf16, #tpu.memory_space<vmem>>, vector<1x1024x256xbf16>
    %get3A_559 = vector.shape_cast %get3A_558 : vector<1x1024x256xbf16> to vector<1024x256xbf16>
    %swap3A_560 = arith.constant 0 : index
    %swap3A_561 = arith.constant 0 : index
    %swap3A_562 = vector.load %arg12[%swap3A_560, %swap3A_561] : memref<1024x768xbf16, #tpu.memory_space<vmem>>, vector<1024x256xbf16>
    tpu.vector_store %arg12[%swap3A_560, %swap3A_561], %get3A_559 {strides = array<i32>} : memref<1024x768xbf16, #tpu.memory_space<vmem>>, vector<1024x256xbf16>,
    %get3A_563 = arith.constant 4 : index
    %get3A_564 = arith.constant 0 : index
    %get3A_565 = arith.constant 0 : index
    %get3A_566 = vector.load %arg2[%get3A_563, %get3A_564, %get3A_565] : memref<5x1024x256xbf16, #tpu.memory_space<vmem>>, vector<1x1024x256xbf16>
    %get3A_567 = vector.shape_cast %get3A_566 : vector<1x1024x256xbf16> to vector<1024x256xbf16>
    %swap3A_568 = arith.constant 0 : index
    %swap3A_569 = arith.constant 256 : index
    %swap3A_570 = vector.load %arg12[%swap3A_568, %swap3A_569] : memref<1024x768xbf16, #tpu.memory_space<vmem>>, vector<1024x256xbf16>
    tpu.vector_store %arg12[%swap3A_568, %swap3A_569], %get3A_567 {strides = array<i32>} : memref<1024x768xbf16, #tpu.memory_space<vmem>>, vector<1024x256xbf16>,
    %get3A_571 = arith.constant 0 : index
    %get3A_572 = arith.constant 0 : index
    %get3A_573 = arith.constant 0 : index
    %get3A_574 = vector.load %arg3[%get3A_571, %get3A_572, %get3A_573] : memref<5x1024x256xbf16, #tpu.memory_space<vmem>>, vector<1x1024x256xbf16>
    %get3A_575 = vector.shape_cast %get3A_574 : vector<1x1024x256xbf16> to vector<1024x256xbf16>
    %swap3A_576 = arith.constant 0 : index
    %swap3A_577 = arith.constant 0 : index
    %swap3A_578 = vector.load %arg14[%swap3A_576, %swap3A_577] : memref<1024x768xbf16, #tpu.memory_space<vmem>>, vector<1024x256xbf16>
    tpu.vector_store %arg14[%swap3A_576, %swap3A_577], %get3A_575 {strides = array<i32>} : memref<1024x768xbf16, #tpu.memory_space<vmem>>, vector<1024x256xbf16>,
    %get3A_579 = arith.constant 0 : index
    %get3A_580 = arith.constant 0 : index
    %get3A_581 = arith.constant 0 : index
    %get3A_582 = vector.load %arg4[%get3A_579, %get3A_580, %get3A_581] : memref<5x1024x256xbf16, #tpu.memory_space<vmem>>, vector<1x1024x256xbf16>
    %get3A_583 = vector.shape_cast %get3A_582 : vector<1x1024x256xbf16> to vector<1024x256xbf16>
    %swap3A_584 = arith.constant 0 : index
    %swap3A_585 = arith.constant 256 : index
    %swap3A_586 = vector.load %arg14[%swap3A_584, %swap3A_585] : memref<1024x768xbf16, #tpu.memory_space<vmem>>, vector<1024x256xbf16>
    tpu.vector_store %arg14[%swap3A_584, %swap3A_585], %get3A_583 {strides = array<i32>} : memref<1024x768xbf16, #tpu.memory_space<vmem>>, vector<1024x256xbf16>,
    %get3A_587 = arith.constant 0 : index
    %get3A_588 = arith.constant 0 : index
    %get3A_589 = vector.load %arg12[%get3A_587, %get3A_588] : memref<1024x768xbf16, #tpu.memory_space<vmem>>, vector<1024x768xbf16>
    %get3A_590 = arith.constant 0 : index
    %get3A_591 = arith.constant 0 : index
    %get3A_592 = vector.load %arg5[%get3A_590, %get3A_591] : memref<768x1024xbf16, #tpu.memory_space<vmem>>, vector<768x1024xbf16>
    %dot_general3A_593 = arith.constant dense<0.000000e+00> : vector<1024x1024xf32>
    %dot_general3A_594 = tpu.matmul %get3A_589, %get3A_592, %dot_general3A_593 {dimension_numbers = #tpu.dot_dimension_numbers<[1], [0], [0], [1], [0, 0, 1, 1], [], []>, transpose_lhs_hint = false} : vector<1024x768xbf16>, vector<768x1024xbf16>, vector<1024x1024xf32> -> vector<1024x1024xf32>
    %get3A_595 = arith.constant 0 : index
    %get3A_596 = arith.constant 0 : index
    %get3A_597 = vector.load %arg6[%get3A_595, %get3A_596] : memref<1x1024xf32, #tpu.memory_space<vmem>>, vector<1x1024xf32>
    %add3A_598 = vector.broadcast %get3A_597 : vector<1x1024xf32> to vector<1024x1024xf32>
    %add3A_599 = arith.addf %dot_general3A_594, %add3A_598 : vector<1024x1024xf32>
    %slice3A_600 = vector.extract_strided_slice %add3A_599 {offsets = [0, 0], sizes = [1024, 256], strides = [1, 1]} : vector<1024x1024xf32> to vector<1024x256xf32>
    %tanh3A_601 = math.tanh %slice3A_600 : vector<1024x256xf32>
    %mul3A_602 = arith.constant 5.000000e-01 : f32
    %mul3A_603 = vector.broadcast %mul3A_602 : f32 to vector<1024x256xf32>
    %mul3A_604 = arith.mulf %mul3A_603, %tanh3A_601 : vector<1024x256xf32>
    %add3A_605 = arith.constant 5.000000e-01 : f32
    %add3A_606 = vector.broadcast %add3A_605 : f32 to vector<1024x256xf32>
    %add3A_607 = arith.addf %mul3A_604, %add3A_606 : vector<1024x256xf32>
    %slice3A_608 = vector.extract_strided_slice %add3A_599 {offsets = [0, 256], sizes = [1024, 256], strides = [1, 1]} : vector<1024x1024xf32> to vector<1024x256xf32>
    %tanh3A_609 = math.tanh %slice3A_608 : vector<1024x256xf32>
    %mul3A_610 = arith.constant 5.000000e-01 : f32
    %mul3A_611 = vector.broadcast %mul3A_610 : f32 to vector<1024x256xf32>
    %mul3A_612 = arith.mulf %mul3A_611, %tanh3A_609 : vector<1024x256xf32>
    %add3A_613 = arith.constant 5.000000e-01 : f32
    %add3A_614 = vector.broadcast %add3A_613 : f32 to vector<1024x256xf32>
    %add3A_615 = arith.addf %mul3A_612, %add3A_614 : vector<1024x256xf32>
    %slice3A_616 = vector.extract_strided_slice %add3A_599 {offsets = [0, 512], sizes = [1024, 256], strides = [1, 1]} : vector<1024x1024xf32> to vector<1024x256xf32>
    %tanh3A_617 = math.tanh %slice3A_616 : vector<1024x256xf32>
    %slice3A_618 = vector.extract_strided_slice %add3A_599 {offsets = [0, 768], sizes = [1024, 256], strides = [1, 1]} : vector<1024x1024xf32> to vector<1024x256xf32>
    %tanh3A_619 = math.tanh %slice3A_618 : vector<1024x256xf32>
    %mul3A_620 = arith.constant 5.000000e-01 : f32
    %mul3A_621 = vector.broadcast %mul3A_620 : f32 to vector<1024x256xf32>
    %mul3A_622 = arith.mulf %mul3A_621, %tanh3A_619 : vector<1024x256xf32>
    %add3A_623 = arith.constant 5.000000e-01 : f32
    %add3A_624 = vector.broadcast %add3A_623 : f32 to vector<1024x256xf32>
    %add3A_625 = arith.addf %mul3A_622, %add3A_624 : vector<1024x256xf32>
    %get3A_626 = arith.constant 0 : index
    %get3A_627 = arith.constant 0 : index
    %get3A_628 = vector.load %arg13[%get3A_626, %get3A_627] : memref<1024x256xf32, #tpu.memory_space<vmem>>, vector<1024x256xf32>
    %mul3A_629 = arith.mulf %add3A_615, %get3A_628 : vector<1024x256xf32>
    %mul3A_630 = arith.mulf %add3A_607, %tanh3A_617 : vector<1024x256xf32>
    %add3A_631 = arith.addf %mul3A_629, %mul3A_630 : vector<1024x256xf32>
    %tanh3A_632 = math.tanh %add3A_631 : vector<1024x256xf32>
    %mul3A_633 = arith.mulf %add3A_625, %tanh3A_632 : vector<1024x256xf32>
    %swap3A_634 = arith.constant 0 : index
    %swap3A_635 = arith.constant 0 : index
    %swap3A_636 = vector.load %arg13[%swap3A_634, %swap3A_635] : memref<1024x256xf32, #tpu.memory_space<vmem>>, vector<1024x256xf32>
    tpu.vector_store %arg13[%swap3A_634, %swap3A_635], %add3A_631 {strides = array<i32>} : memref<1024x256xf32, #tpu.memory_space<vmem>>, vector<1024x256xf32>,
    %convert_element_type3A_637 = arith.truncf %mul3A_633 : vector<1024x256xf32> to vector<1024x256xbf16>
    %swap3A_638 = arith.constant 0 : index
    %swap3A_639 = arith.constant 512 : index
    %swap3A_640 = vector.load %arg12[%swap3A_638, %swap3A_639] : memref<1024x768xbf16, #tpu.memory_space<vmem>>, vector<1024x256xbf16>
    tpu.vector_store %arg12[%swap3A_638, %swap3A_639], %convert_element_type3A_637 {strides = array<i32>} : memref<1024x768xbf16, #tpu.memory_space<vmem>>, vector<1024x256xbf16>,
    %get3A_641 = arith.constant 0 : index
    %get3A_642 = arith.constant 0 : index
    %get3A_643 = vector.load %arg14[%get3A_641, %get3A_642] : memref<1024x768xbf16, #tpu.memory_space<vmem>>, vector<1024x768xbf16>
    %get3A_644 = arith.constant 0 : index
    %get3A_645 = arith.constant 0 : index
    %get3A_646 = vector.load %arg7[%get3A_644, %get3A_645] : memref<768x1024xbf16, #tpu.memory_space<vmem>>, vector<768x1024xbf16>
    %dot_general3A_647 = arith.constant dense<0.000000e+00> : vector<1024x1024xf32>
    %dot_general3A_648 = tpu.matmul %get3A_643, %get3A_646, %dot_general3A_647 {dimension_numbers = #tpu.dot_dimension_numbers<[1], [0], [0], [1], [0, 0, 1, 1], [], []>, transpose_lhs_hint = false} : vector<1024x768xbf16>, vector<768x1024xbf16>, vector<1024x1024xf32> -> vector<1024x1024xf32>
    %get3A_649 = arith.constant 0 : index
    %get3A_650 = arith.constant 0 : index
    %get3A_651 = vector.load %arg8[%get3A_649, %get3A_650] : memref<1x1024xf32, #tpu.memory_space<vmem>>, vector<1x1024xf32>
    %add3A_652 = vector.broadcast %get3A_651 : vector<1x1024xf32> to vector<1024x1024xf32>
    %add3A_653 = arith.addf %dot_general3A_648, %add3A_652 : vector<1024x1024xf32>
    %slice3A_654 = vector.extract_strided_slice %add3A_653 {offsets = [0, 0], sizes = [1024, 256], strides = [1, 1]} : vector<1024x1024xf32> to vector<1024x256xf32>
    %tanh3A_655 = math.tanh %slice3A_654 : vector<1024x256xf32>
    %mul3A_656 = arith.constant 5.000000e-01 : f32
    %mul3A_657 = vector.broadcast %mul3A_656 : f32 to vector<1024x256xf32>
    %mul3A_658 = arith.mulf %mul3A_657, %tanh3A_655 : vector<1024x256xf32>
    %add3A_659 = arith.constant 5.000000e-01 : f32
    %add3A_660 = vector.broadcast %add3A_659 : f32 to vector<1024x256xf32>
    %add3A_661 = arith.addf %mul3A_658, %add3A_660 : vector<1024x256xf32>
    %slice3A_662 = vector.extract_strided_slice %add3A_653 {offsets = [0, 256], sizes = [1024, 256], strides = [1, 1]} : vector<1024x1024xf32> to vector<1024x256xf32>
    %tanh3A_663 = math.tanh %slice3A_662 : vector<1024x256xf32>
    %mul3A_664 = arith.constant 5.000000e-01 : f32
    %mul3A_665 = vector.broadcast %mul3A_664 : f32 to vector<1024x256xf32>
    %mul3A_666 = arith.mulf %mul3A_665, %tanh3A_663 : vector<1024x256xf32>
    %add3A_667 = arith.constant 5.000000e-01 : f32
    %add3A_668 = vector.broadcast %add3A_667 : f32 to vector<1024x256xf32>
    %add3A_669 = arith.addf %mul3A_666, %add3A_668 : vector<1024x256xf32>
    %slice3A_670 = vector.extract_strided_slice %add3A_653 {offsets = [0, 512], sizes = [1024, 256], strides = [1, 1]} : vector<1024x1024xf32> to vector<1024x256xf32>
    %tanh3A_671 = math.tanh %slice3A_670 : vector<1024x256xf32>
    %slice3A_672 = vector.extract_strided_slice %add3A_653 {offsets = [0, 768], sizes = [1024, 256], strides = [1, 1]} : vector<1024x1024xf32> to vector<1024x256xf32>
    %tanh3A_673 = math.tanh %slice3A_672 : vector<1024x256xf32>
    %mul3A_674 = arith.constant 5.000000e-01 : f32
    %mul3A_675 = vector.broadcast %mul3A_674 : f32 to vector<1024x256xf32>
    %mul3A_676 = arith.mulf %mul3A_675, %tanh3A_673 : vector<1024x256xf32>
    %add3A_677 = arith.constant 5.000000e-01 : f32
    %add3A_678 = vector.broadcast %add3A_677 : f32 to vector<1024x256xf32>
    %add3A_679 = arith.addf %mul3A_676, %add3A_678 : vector<1024x256xf32>
    %get3A_680 = arith.constant 0 : index
    %get3A_681 = arith.constant 0 : index
    %get3A_682 = vector.load %arg15[%get3A_680, %get3A_681] : memref<1024x256xf32, #tpu.memory_space<vmem>>, vector<1024x256xf32>
    %mul3A_683 = arith.mulf %add3A_669, %get3A_682 : vector<1024x256xf32>
    %mul3A_684 = arith.mulf %add3A_661, %tanh3A_671 : vector<1024x256xf32>
    %add3A_685 = arith.addf %mul3A_683, %mul3A_684 : vector<1024x256xf32>
    %tanh3A_686 = math.tanh %add3A_685 : vector<1024x256xf32>
    %mul3A_687 = arith.mulf %add3A_679, %tanh3A_686 : vector<1024x256xf32>
    %swap3A_688 = arith.constant 0 : index
    %swap3A_689 = arith.constant 0 : index
    %swap3A_690 = vector.load %arg15[%swap3A_688, %swap3A_689] : memref<1024x256xf32, #tpu.memory_space<vmem>>, vector<1024x256xf32>
    tpu.vector_store %arg15[%swap3A_688, %swap3A_689], %add3A_685 {strides = array<i32>} : memref<1024x256xf32, #tpu.memory_space<vmem>>, vector<1024x256xf32>,
    %convert_element_type3A_691 = arith.truncf %mul3A_687 : vector<1024x256xf32> to vector<1024x256xbf16>
    %swap3A_692 = arith.constant 0 : index
    %swap3A_693 = arith.constant 512 : index
    %swap3A_694 = vector.load %arg14[%swap3A_692, %swap3A_693] : memref<1024x768xbf16, #tpu.memory_space<vmem>>, vector<1024x256xbf16>
    tpu.vector_store %arg14[%swap3A_692, %swap3A_693], %convert_element_type3A_691 {strides = array<i32>} : memref<1024x768xbf16, #tpu.memory_space<vmem>>, vector<1024x256xbf16>,
    %eq3A_695 = arith.constant 39 : i32
    %eq3A_696 = arith.cmpi eq, %arg0, %eq3A_695 : i32
    %convert_element_type3A_697 = arith.extui %eq3A_696 : i1 to i32
    %cond3A_698 = arith.constant 0 : i32
    %cond3A_699 = arith.cmpi ne, %convert_element_type3A_697, %cond3A_698 : i32
    scf.if %cond3A_699 {
      %get3A_700 = arith.constant 0 : index
      %get3A_701 = arith.constant 0 : index
      %get3A_702 = vector.load %arg9[%get3A_700, %get3A_701] : memref<512x2xf32, #tpu.memory_space<vmem>>, vector<512x2xf32>
      %slice3A_703 = vector.extract_strided_slice %get3A_702 {offsets = [0, 0], sizes = [256, 2], strides = [1, 1]} : vector<512x2xf32> to vector<256x2xf32>
      %dot_general3A_704 = arith.constant dense<0.000000e+00> : vector<1024x2xf32>
      %dot_general3A_705 = tpu.matmul %mul3A_633, %slice3A_703, %dot_general3A_704 {dimension_numbers = #tpu.dot_dimension_numbers<[1], [0], [0], [1], [0, 0, 1, 1], [], []>, transpose_lhs_hint = false} : vector<1024x256xf32>, vector<256x2xf32>, vector<1024x2xf32> -> vector<1024x2xf32>
      %slice3A_706 = vector.extract_strided_slice %get3A_702 {offsets = [256, 0], sizes = [256, 2], strides = [1, 1]} : vector<512x2xf32> to vector<256x2xf32>
      %dot_general3A_707 = arith.constant dense<0.000000e+00> : vector<1024x2xf32>
      %dot_general3A_708 = tpu.matmul %mul3A_687, %slice3A_706, %dot_general3A_707 {dimension_numbers = #tpu.dot_dimension_numbers<[1], [0], [0], [1], [0, 0, 1, 1], [], []>, transpose_lhs_hint = false} : vector<1024x256xf32>, vector<256x2xf32>, vector<1024x2xf32> -> vector<1024x2xf32>
      %add3A_709 = arith.addf %dot_general3A_705, %dot_general3A_708 : vector<1024x2xf32>
      %get3A_710 = arith.constant 0 : index
      %get3A_711 = arith.constant 0 : index
      %get3A_712 = vector.load %arg10[%get3A_710, %get3A_711] : memref<1x2xf32, #tpu.memory_space<vmem>>, vector<1x2xf32>
      %add3A_713 = vector.broadcast %get3A_712 : vector<1x2xf32> to vector<1024x2xf32>
      %add3A_714 = arith.addf %add3A_709, %add3A_713 : vector<1024x2xf32>
      %swap3A_715 = arith.constant 0 : index
      %swap3A_716 = arith.constant 0 : index
      %swap3A_717 = vector.load %arg11[%swap3A_715, %swap3A_716] : memref<1024x2xf32, #tpu.memory_space<vmem>>, vector<1024x2xf32>
      tpu.vector_store %arg11[%swap3A_715, %swap3A_716], %add3A_714 {strides = array<i32>} : memref<1024x2xf32, #tpu.memory_space<vmem>>, vector<1024x2xf32>,
    } else {
    }
    return
  }
  func.func @transform_0(%arg0: i32) -> (i32, i32, i32) {
    %c0_i32 = arith.constant 0 : i32
    %c0_i32_0 = arith.constant 0 : i32
    %c0_i32_1 = arith.constant 0 : i32
    return %arg0, %c0_i32, %c0_i32_0 : i32, i32, i32
  }
  func.func @transform_1(%arg0: i32) -> (i32, i32, i32) {
    %c0_i32 = arith.constant 0 : i32
    %c0_i32_0 = arith.constant 0 : i32
    %c0_i32_1 = arith.constant 0 : i32
    return %arg0, %c0_i32, %c0_i32_0 : i32, i32, i32
  }
  func.func @transform_2(%arg0: i32) -> (i32, i32, i32) {
    %sub3A = arith.constant 39 : i32
    %sub3A_0 = arith.subi %sub3A, %arg0 : i32
    %c0_i32 = arith.constant 0 : i32
    %c0_i32_1 = arith.constant 0 : i32
    %c0_i32_2 = arith.constant 0 : i32
    return %sub3A_0, %c0_i32, %c0_i32_1 : i32, i32, i32
  }
  func.func @transform_3(%arg0: i32) -> (i32, i32, i32) {
    %sub3A = arith.constant 39 : i32
    %sub3A_0 = arith.subi %sub3A, %arg0 : i32
    %c0_i32 = arith.constant 0 : i32
    %c0_i32_1 = arith.constant 0 : i32
    %c0_i32_2 = arith.constant 0 : i32
    return %sub3A_0, %c0_i32, %c0_i32_1 : i32, i32, i32
  }
  func.func @transform_4(%arg0: i32) -> (i32, i32) {
    %c0_i32 = arith.constant 0 : i32
    %c0_i32_0 = arith.constant 0 : i32
    %c0_i32_1 = arith.constant 0 : i32
    return %c0_i32, %c0_i32_0 : i32, i32
  }
  func.func @transform_5(%arg0: i32) -> (i32, i32) {
    %c0_i32 = arith.constant 0 : i32
    %c0_i32_0 = arith.constant 0 : i32
    %c0_i32_1 = arith.constant 0 : i32
    return %c0_i32, %c0_i32_0 : i32, i32
  }
  func.func @transform_6(%arg0: i32) -> (i32, i32) {
    %c0_i32 = arith.constant 0 : i32
    %c0_i32_0 = arith.constant 0 : i32
    %c0_i32_1 = arith.constant 0 : i32
    return %c0_i32, %c0_i32_0 : i32, i32
  }
  func.func @transform_7(%arg0: i32) -> (i32, i32) {
    %c0_i32 = arith.constant 0 : i32
    %c0_i32_0 = arith.constant 0 : i32
    %c0_i32_1 = arith.constant 0 : i32
    return %c0_i32, %c0_i32_0 : i32, i32
  }
  func.func @transform_8(%arg0: i32) -> (i32, i32) {
    %c0_i32 = arith.constant 0 : i32
    %c0_i32_0 = arith.constant 0 : i32
    %c0_i32_1 = arith.constant 0 : i32
    return %c0_i32, %c0_i32_0 : i32, i32
  }
  func.func @transform_9(%arg0: i32) -> (i32, i32) {
    %c0_i32 = arith.constant 0 : i32
    %c0_i32_0 = arith.constant 0 : i32
    %c0_i32_1 = arith.constant 0 : i32
    return %c0_i32, %c0_i32_0 : i32, i32
  }
  func.func @transform_10(%arg0: i32) -> (i32, i32) {
    %c0_i32 = arith.constant 0 : i32
    %c0_i32_0 = arith.constant 0 : i32
    %c0_i32_1 = arith.constant 0 : i32
    return %c0_i32, %c0_i32_0 : i32, i32
  }
}

</mosaic_0001>

<sc_bundles>
// kernel: kernel.5.cloned.1.call-start
scs
__scs_entry_jumppad:
0x0: {  	(pc) =	sbr.rel $0x88, $3  }
0x1: {  	(tag) =	ssettag $0x0;
	lr =	simm.s32 $0x1  }
0x2: {  	[smem:$0x3F8D] =	sst lr;
	_ =	strace $0xD0000000  }
0x3: {  	_ = 	snop  }
0x4: {  	_ = 	snop  }
0x5: {  	_ = 	snop  }
0x6: {  	_ = 	snop  }
0x7: {  	_ = 	snop  }
__scs_overlays_trampoline_lowered:
0x8: {  	[smem:$0x3F9C] =	sst s0  }
0x9: {  	[smem:$0x3F9D] =	sst s1  }
0xa: {  	[smem:$0x3F9E] =	sst s2  }
0xb: {  	[smem:$0x3F9F] =	sst s3  }
0xc: {  	[smem:$0x3FA0] =	sst s4  }
0xd: {  	[smem:$0x3FA1] =	sst s5  }
0xe: {  	[smem:$0x3FA2] =	sst s6  }
0xf: {  	[smem:$0x3FA3] =	sst s7  }
0x10: {  	[smem:$0x3FA4] =	sst s8  }
0x11: {  	[smem:$0x3FA5] =	sst s9;
	s0 =	simm.s32 @!p0 $0x0  }
0x12: {  	s1 =	sld [smem:$0x3F8B];
	s0 =	simm.s32 @p0 $0x1  }
0x13: {  	[smem:$0x3FA6] =	sst s0;
	s0 =	simm.s32 @!p1 $0x0  }
0x14: {  	s2 =	sld [smem:$0x3F8A];
	s0 =	simm.s32 @p1 $0x1  }
0x15: {  	[smem:$0x3FA7] =	sst s0;
	s0 =	simm.s32 @!p2 $0x0  }
0x16: {  	s3 =	sld [smem:$0x3FDB];
	s0 =	simm.s32 @p2 $0x1  }
0x17: {  	s4 =	simm.s32 $0x1BF5;
	[smem:$0x3FA9] =	sst s0  }
0x18: {  	s0 =	sld [smem:$0x3F8C];
	_ =	swait.ge [sflag:s4], $0x0  }
0x19: {  	s7 =	sld [smem:$0x3F8D]  }
0x1a: {  	s8 =	sadd.s32 $0xFFFFE003, lr  }
0x1b: {  	s9 =	sadd.s32 $0xFFFFFEF7, lr;
	s5 =	simm.s32 $0xFFFFFFFF;
	p2 =	slt.u32 s8, $0xFFFFF086  }
0x1c: {  	p1 =	slt.u32 s9, $0xF7A;
	s5 =	simm.s32 @!p2 $0x0  }
0x1d: {  	s5 =	simm.s32 @p1 $0x1;
	p0 =	seq.s32 s7, s2  }
0x1e: {  	s7 =	smul.u32 @!p0 $0xF7A, s2;
	p2 =	seq.s32 @!p0 s5, $0x0  }
0x1f: {  	s9 =	smul.u32 $0xF7A, s1;
	s8 =	simm.s32 @!p0 $0x1BF5;
	p2 =	por !p2, p0  }
0x20: {  	[sflag:s8] =	ssyncset.s32 @!p0 $0xFFFFF086;
	s6 =	sadd.s32 @!p0 s3, s7;
	s7 =	simm.s32 @!p0 $0x108  }
0x21: {  	s3 =	sadd.s32 s3, s9;
	s6 =	sadd.s32 @!p0 $0x88, s6;
	s7 =	simm.s32 @p2 $0x1082  }
0x22: {  	[simem:s7], [sflag:s8] =	dma.local @!p0 [hbm:s6], $0xF7A  }
0x23: {  	s9 =	sor.u32 $0xD0000000, s2;
	s6 =	simm.s32 $0x108;
	_ =	swait.ge @!p0 [sflag:s8], $0x0  }
0x24: {  	s3 =	sadd.s32 $0x88, s3;
	s6 =	simm.s32 @!p1 $0x1082;
	[sflag:s4] =	ssyncset.s32 $0xFFFFF086  }
0x25: {  	[simem:s6], [sflag:s4] =	dma.local [hbm:s3], $0xF7A  }
0x26: {  	[smem:$0x3F8D] =	sst s1;
	(tag) =	ssettag s2;
	_ =	strace s9  }
0x27: {  	s1 =	sld [smem:$0x3F9D]  }
0x28: {  	s2 =	sld [smem:$0x3F9E]  }
0x29: {  	s4 =	sld [smem:$0x3FA0]  }
0x2a: {  	p0 =	seq.s32 s5, $0x0;
	s5 =	sld [smem:$0x3FA1]  }
0x2b: {  	s6 =	sld [smem:$0x3FA2]  }
0x2c: {  	s7 =	sld [smem:$0x3FA3]  }
0x2d: {  	s3 =	simm.s32 $0x108;
	s8 =	sld [smem:$0x3FA4]  }
0x2e: {  	s3 =	simm.s32 @!p0 $0x1082;
	s9 =	sld [smem:$0x3FA5]  }
0x2f: {  	lr =	sadd.s32 s0, s3;
	s0 =	sld [smem:$0x3F9C]  }
0x30: {  	s3 =	sld [smem:$0x3F9F]  }
0x31: {  	[smem:$0x3FA8] =	sst s10  }
0x32: {  	s10 =	sld [smem:$0x3FA6];
	_ =	sdelay $0x3  }
0x33: {  	p0 =	seq.s32 s10, $0x1;
	s10 =	sld [smem:$0x3FA8];
	_ =	sdelay $0x3  }
0x34: {  	[smem:$0x3FA8] =	sst s10  }
0x35: {  	s10 =	sld [smem:$0x3FA7];
	_ =	sdelay $0x3  }
0x36: {  	p1 =	seq.s32 s10, $0x1;
	s10 =	sld [smem:$0x3FA8];
	_ =	sdelay $0x3  }
0x37: {  	[smem:$0x3FA8] =	sst s10  }
0x38: {  	s10 =	sld [smem:$0x3FA9]  }
0x39: {  	_ = 	snop;
	(pc) =	sbr.ind lr, $3  }
0x3a: {  	_ = 	snop  }
0x3b: {  	_ = 	snop  }
0x3c: {  	p2 =	seq.s32 s10, $0x1;
	s10 =	sld [smem:$0x3FA8]  }
0x3d: {  	_ =	shalt  }
0x3e: {  	_ =	shalt  }
0x3f: {  	_ =	shalt  }
0x40: {  	_ =	shalt  }
0x41: {  	_ =	shalt  }
0x42: {  	_ =	shalt  }
0x43: {  	_ =	shalt  }
0x44: {  	_ =	shalt  }
0x45: {  	_ =	shalt  }
0x46: {  	_ =	shalt  }
0x47: {  	_ =	shalt  }
0x48: {  	_ =	shalt  }
0x49: {  	_ =	shalt  }
0x4a: {  	_ =	shalt  }
0x4b: {  	_ =	shalt  }
0x4c: {  	_ =	shalt  }
0x4d: {  	_ =	shalt  }
0x4e: {  	_ =	shalt  }
0x4f: {  	_ =	shalt  }
0x50: {  	_ =	shalt  }
0x51: {  	_ =	shalt  }
0x52: {  	_ =	shalt  }
0x53: {  	_ =	shalt  }
0x54: {  	_ =	shalt  }
0x55: {  	_ =	shalt  }
0x56: {  	_ =	shalt  }
0x57: {  	_ =	shalt  }
0x58: {  	_ =	shalt  }
0x59: {  	_ =	shalt  }
0x5a: {  	_ =	shalt  }
0x5b: {  	_ =	shalt  }
0x5c: {  	_ =	shalt  }
0x5d: {  	_ =	shalt  }
0x5e: {  	_ =	shalt  }
0x5f: {  	_ =	shalt  }
0x60: {  	_ =	shalt  }
0x61: {  	_ =	shalt  }
0x62: {  	_ =	shalt  }
0x63: {  	_ =	shalt  }
0x64: {  	_ =	shalt  }
0x65: {  	_ =	shalt  }
0x66: {  	_ =	shalt  }
0x67: {  	_ =	shalt  }
0x68: {  	_ =	shalt  }
0x69: {  	_ =	shalt  }
0x6a: {  	_ =	shalt  }
0x6b: {  	_ =	shalt  }
0x6c: {  	_ =	shalt  }
0x6d: {  	_ =	shalt  }
0x6e: {  	_ =	shalt  }
0x6f: {  	_ =	shalt  }
0x70: {  	_ =	shalt  }
0x71: {  	_ =	shalt  }
0x72: {  	_ =	shalt  }
0x73: {  	_ =	shalt  }
0x74: {  	_ =	shalt  }
0x75: {  	_ =	shalt  }
0x76: {  	_ =	shalt  }
0x77: {  	_ =	shalt  }
0x78: {  	_ =	shalt  }
0x79: {  	_ =	shalt  }
0x7a: {  	_ =	shalt  }
0x7b: {  	_ =	shalt  }
0x7c: {  	_ =	shalt  }
0x7d: {  	_ =	shalt  }
0x7e: {  	_ =	shalt  }
0x7f: {  	_ =	shalt  }
0x80: {  	_ =	shalt  }
0x81: {  	_ =	shalt  }
0x82: {  	_ =	shalt  }
0x83: {  	_ =	shalt  }
0x84: {  	_ =	shalt  }
0x85: {  	_ =	shalt  }
0x86: {  	_ =	shalt  }
0x87: {  	_ =	shalt  }
.Lfunc_end0:
.L_simem_size_0:
called_computation_lowered:
.L_overlay_start_0:
0x88: {  	s2 =	sld [smem:$0x3FD9]  }
0x89: {  	s3 =	sld [smem:$0x3FFE];
	_ =	sdelay $0x1  }
0x8a: {  	s1 =	srdreg.scid  }
0x8b: {  	s0 =	sand.u32 $0x1, s1  }
0x8c: {  	s17 =	sshll.u32 s0, $0xA;
	s2 =	sadd.s32 s3, s2  }
0x8d: {  	s2 =	sadd.s32 s2, s17  }
0x8e: {  	[smem:$0x3FB4] =	sst s2  }
0x8f: {  	_ = 	snop  }
0x90: {  	s2 =	sld [smem:$0x3FC8];
	(tm) =	ssettm $0x1  }
0x91: {  	s18 =	sld [smem:$0x3FFB];
	_ =	sdelay $0x3  }
0x92: {  	_ =	strace s18  }
0x93: {  	s3 =	sld [smem:$0x3FFC];
	_ =	sdelay $0x3  }
0x94: {  	_ =	strace s3  }
0x95: {  	s3 =	sld [smem:$0x3FFD];
	_ =	sdelay $0x3  }
0x96: {  	_ =	strace s3  }
0x97: {  	_ =	strace $0x8FFFFFFF  }
0x98: {  	s19 =	sld [smem:$0x3FDB];
	_ =	sdelay $0x1  }
0x99: {  	s4 =	simm.s32 $_scs_section_size  }
0x9a: {  	s5 =	simm.s32 $_size__tile_overlayer_lowered;
	s6 =	simm.s32 $_tile_overlayer_lowered  }
0x9b: {  	s22 =	simm.s32 $0x1BFF;
	s21 =	sshll.u32 s6, $0x1;
	s3 =	sadd.s32 s4, s19  }
0x9c: {  	s7 =	simm.s32 $0x0;
	s20 =	sshll.u32 s5, $0x1;
	s5 =	sadd.s32 s21, s3  }
0x9d: {  	[timem:s7], [sflag:s22] =	dma.local [hbm:s5], s20  }
0x9e: {  	_ =	swait.ge [sflag:s22], s20  }
0x9f: {  	s4 =	ssub.s32 $0x0, s20;
	[sflag:s22] =	ssyncset.done $0x0  }
0xa0: {  	[sflag:s22] =	ssyncadd.s32 s4;
	_ =	sdelay $0x1  }
0xa1: {  	s23 =	simm.s32 $0x1B8B  }
0xa2: {  	_ =	swait.ge [sflag:s23], $0x1  }
0xa3: {  	[sflag:s23] =	ssyncset.done $0x0  }
0xa4: {  	s25 =	simm.s32 $0x1B8E;
	s24 =	sld [smem:$0x3FFE];
	[sflag:s23] =	ssyncadd.s32 $0xFFFFFFFF  }
0xa5: {  	s26 =	simm.s32 $execute0_lowered;
	[smem:$0x3FD2] =	sst s25  }
0xa6: {  	s5 =	sshll.u32 s26, $0x1;
	_ =	strace $0x80000046;
	[dreg:$0x1] =	wrdreg $0xFFFFFFFF  }
0xa7: {  	s28 =	simm.s32 $_size_execute0_lowered;
	s3 =	sadd.s32 s3, s5;
	[dreg:$0x0] =	wrdreg $0x0  }
0xa8: {  	s5 =	sshll.u32 s28, $0x1;
	[dreg:$0x2] =	wrdreg s3  }
0xa9: {  	[dreg:$0x3] =	wrdreg s5  }
0xaa: {  	[dreg:$0x4] =	wrdreg $0xC0  }
0xab: {  	_ =	task [dreg:s7], $0x5FFFF  }
0xac: {  	[dreg:$0x1] =	wrdreg $0xFFFFFFFF  }
0xad: {  	[dreg:$0x0] =	wrdreg $0x60  }
0xae: {  	[dreg:$0x2] =	wrdreg s2  }
0xaf: {  	[dreg:$0x3] =	wrdreg s24  }
0xb0: {  	[dreg:$0x4] =	wrdreg $0x9  }
0xb1: {  	_ =	task.clear_ibuf [dreg:s7], $0x5FFFF;
	_ =	strace $0x90000046  }
0xb2: {  	s29 =	simm.s32 $0x9;
	_ =	strace $0x80000048  }
0xb3: {  	_ =	swait.ge [sflag:s29], $0x1  }
0xb4: {  	[sflag:s29] =	ssyncadd.s32 $0xFFFFFFFF  }
0xb5: {  	_ =	strace $0x90000048  }
0xb6: {  	_ =	sfence  }
0xb7: {  	s30 =	sld [smem:$0x0];
	_ =	sdelay $0x2  }
0xb8: {  	s31 =	sshll.u32 s1, $0xD;
	s1 =	sshrl.u32 s1, $0x2  }
0xb9: {  	s3 =	sand.u32 $0x4000, s31;
	s1 =	sadd.s32 s1, s30  }
0xba: {  	s0 =	sor.u32 s3, s0;
	s1 =	sshll.u32 s1, $0x11  }
0xbb: {  	s0 =	sor.u32 s1, s0  }
0xbc: {  	s0 =	sadd.s32 $0x8F2B, s0  }
0xbd: {  	[sflag:s0] =	ssyncadd.remote.s32 $0x1  }
0xbe: {  	_ =	sfence.sel $0xFFFF  }
0xbf: {  	[dreg:$0x0] =	wrdreg $0xFFFFFFFF;
	(pc) =	sbr.abs _section_cstart, $3  }
0xc0: {  	[dreg:$0x1] =	wrdreg $0xFFFFFFFF  }
0xc1: {  	_ =	task.clear_ibuf [dreg:s7], $0x2FFFF;
	_ =	strace $0x9FFFFFFF  }
0xc2: {  	(tm) =	ssettm $0x7FFFFFFF  }
0xc3: {  	_ =	shalt  }
tec
execute0_lowered:
.L_overlay_start_1:
0x0: {  	(tag) =	ssettag $0x1  }
0x1: {  	s2 =	rddreg [dreg:$0x0];
	s1 =	srdreg.scid  }
0x2: {  	s0 =	stileid.u32;
	s4 =	rddreg [dreg:$0x1];
	s3 =	simm.s32 $0x0  }
0x3: {  	s13 =	simm.s32 $0x5C00;
	s14 =	simm.s32 $0x1;
	s25 =	smul.u32 $0x190000, s0  }
0x4: {  	s15 =	simm.s32 $0x2;
	s7 =	sand.u32 $0x1, s1;
	s29 =	smul.u32 $0x32000, s0  }
0x5: {  	s16 =	simm.s32 $0x1880;
	s5 =	sshll.u32 s0, $0x1;
	s28 =	smul.u32 $0xC8000, s7  }
0x6: {  	s1 =	rddreg [dreg:$0x2];
	s5 =	sor.u32 s7, s5;
	s30 =	smul.u32 $0x19000, s7  }
0x7: {  	s17 =	simm.s32 $0x0;
	[smem:$0x7FF] =	sst s3;
	s6 =	smul.u32 $0x380, s5  }
0x8: {  	s12 =	sadd.s32 $0xA200, s4;
	s8 =	ssub.s32 $0x2, s7;
	s9 =	smul.u32 $0xC8000, s5  }
0x9: {  	_ =	strace $0x80000047;
	s10 =	sshrl.u32 s8, $0x1;
	s11 =	smul.u32 $0x19000, s5  }
0xa: {  	s24 =	ssub.s32 s8, s10;
	s8 =	sadd.s32 s28, s25;
	s10 =	sadd.s32 s29, s12  }
0xb: {  	s6 =	sadd.s32 s6, s4;
	s26 =	sshrl.u32 s9, $0x3;
	s5 =	smax.u32 s24, $0x1  }
0xc: {  	s31 =	sadd.s32 s12, s11;
	s8 =	sshrl.u32 s8, $0x3;
	s9 =	sadd.s32 s30, s10  }
0xd: {  	s10 =	simm.s32 $0x3;
	s11 =	simm.s32 $0x1C00;
	s4 =	sadd.s32 $0x3200, s6  }
0xe: {  	s6 =	sadd.s32 s12, s26;
	s7 =	sadd.s32 $0x18800, s31;
	s8 =	sadd.s32 s8, s12  }
0xf: {  	s9 =	sadd.s32 $0x800, s9;
	s12 =	simm.s32 $0x80;
	s6 =	sadd.s32 $0x18000, s6  }
.LBB2_1:
0x10: {  	[tilespmem:s3], [sflag:$0x3] =	stream.linear.gather [hbm4b:s4+s3], $0x1900, $0x38;
	[tilespmem:$0x9C00] =	vst v63  }
0x11: {  	_ =	swait.ge [sflag:s10], $0x1900  }
0x12: {  	[sflag:s10] =	ssyncset.done $0x0  }
0x13: {  	[sflag:s10] =	ssyncadd.s32 $0xFFFFE700  }
0x14: {  	[tilespmem:s11], [sflag:$0x1] =	stream.indirect.gather [hbm4b:s2+s12], $0x80, s3, s12, $0xb8;
	[tilespmem:$0x9C00] =	vst v63  }
0x15: {  	_ = 	snop  }
0x16: {  	[tilespmem:s13], [sflag:$0x2] =	stream.indirect.gather [hbm4b:s2+s12], $0x80, s12, s12, $0xb8;
	[tilespmem:$0x9C00] =	vst v63  }
0x17: {  	_ =	swait.ge [sflag:s14], $0x4000  }
0x18: {  	[sflag:s14] =	ssyncset.done $0x0  }
0x19: {  	s18 =	sadd.s32 $0x0, s8;
	[sflag:s14] =	ssyncadd.s32 $0xFFFFC000  }
0x1a: {  	[hbm4b:s18+s3] =	stream.linear.scatter [tilespmem:s11], [sflag:$0x3], $0x4000, $0x38;
	[tilespmem:$0x9C00] =	vst v63  }
0x1b: {  	_ =	swait.ge [sflag:s10], $0x4000  }
0x1c: {  	[sflag:s10] =	ssyncset.done $0x0  }
0x1d: {  	s30 =	simm.s32 $0x100;
	[sflag:s10] =	ssyncadd.s32 $0xFFFFC000  }
0x1e: {  	[tilespmem:s11], [sflag:$0x1] =	stream.indirect.gather [hbm4b:s2+s12], $0x80, s30, s12, $0xb8;
	[tilespmem:$0x9C00] =	vst v63  }
0x1f: {  	_ =	swait.ge [sflag:s15], $0x4000  }
0x20: {  	[sflag:s15] =	ssyncset.done $0x0  }
0x21: {  	s31 =	sadd.s32 $0x0, s9;
	[sflag:s15] =	ssyncadd.s32 $0xFFFFC000  }
0x22: {  	[hbm4b:s31+s3] =	stream.linear.scatter [tilespmem:s13], [sflag:$0x3], $0x4000, $0x38;
	[tilespmem:$0x9C00] =	vst v63  }
0x23: {  	_ =	swait.ge [sflag:s10], $0x4000  }
0x24: {  	s19 =	simm.s32 $0x80;
	s18 =	simm.s32 $0x1000;
	[sflag:s10] =	ssyncset.done $0x0  }
.LBB2_2:
0x25: {  	p0 =	sne.s32 s18, $0x17000;
	[sflag:s10] =	ssyncadd.s32 $0xFFFFC000;
	s19 =	sadd.s32 $0x100, s19  }
0x26: {  	[tilespmem:s13], [sflag:$0x2] =	stream.indirect.gather [hbm4b:s2+s12], $0x80, s19, s12, $0xb8;
	[tilespmem:$0x9C00] =	vst v63  }
0x27: {  	s20 =	smov.u32 s18;
	s18 =	sadd.s32 $0x1000, s18;
	_ =	swait.ge [sflag:s14], $0x4000  }
0x28: {  	[sflag:s14] =	ssyncset.done $0x0  }
0x29: {  	s21 =	sadd.s32 s20, s8;
	[sflag:s14] =	ssyncadd.s32 $0xFFFFC000  }
0x2a: {  	[hbm4b:s21+s3] =	stream.linear.scatter [tilespmem:s11], [sflag:$0x3], $0x4000, $0x38;
	[tilespmem:$0x9C00] =	vst v63  }
0x2b: {  	_ =	swait.ge [sflag:s10], $0x4000  }
0x2c: {  	[sflag:s10] =	ssyncset.done $0x0  }
0x2d: {  	s21 =	sadd.s32 $0x80, s19;
	[sflag:s10] =	ssyncadd.s32 $0xFFFFC000  }
0x2e: {  	[tilespmem:s11], [sflag:$0x1] =	stream.indirect.gather [hbm4b:s2+s12], $0x80, s21, s12, $0xb8;
	[tilespmem:$0x9C00] =	vst v63  }
0x2f: {  	_ =	swait.ge [sflag:s15], $0x4000  }
.Ltmp0:
0x30: {  	[sflag:s15] =	ssyncset.done $0x0;
	(pc) =	sbr.rel @p0 .LBB2_2-.Ltmp0, $4  }
0x31: {  	s20 =	sadd.s32 s20, s9;
	[sflag:s15] =	ssyncadd.s32 $0xFFFFC000  }
0x32: {  	[hbm4b:s20+s3] =	stream.linear.scatter [tilespmem:s13], [sflag:$0x3], $0x4000, $0x38;
	[tilespmem:$0x9C00] =	vst v63  }
0x33: {  	_ =	swait.ge [sflag:s10], $0x4000  }
0x34: {  	[sflag:s10] =	ssyncset.done $0x0  }
0x35: {  	[sflag:s10] =	ssyncadd.s32 $0xFFFFC000  }
0x36: {  	[tilespmem:s13], [sflag:$0x2] =	stream.indirect.gather [hbm4b:s2+s12], $0x80, s16, s12, $0xb8;
	[tilespmem:$0x9C00] =	vst v63  }
0x37: {  	_ =	swait.ge [sflag:s14], $0x4000  }
0x38: {  	[sflag:s14] =	ssyncset.done $0x0  }
0x39: {  	[sflag:s14] =	ssyncadd.s32 $0xFFFFC000  }
0x3a: {  	[hbm4b:s6+s3] =	stream.linear.scatter [tilespmem:s11], [sflag:$0x3], $0x4000, $0x38;
	[tilespmem:$0x9C00] =	vst v63  }
0x3b: {  	_ =	swait.ge [sflag:s10], $0x4000  }
0x3c: {  	[sflag:s10] =	ssyncset.done $0x0  }
0x3d: {  	[sflag:s10] =	ssyncadd.s32 $0xFFFFC000  }
0x3e: {  	s17 =	sadd.s32 $0x1, s17;
	_ =	swait.ge [sflag:s15], $0x4000  }
0x3f: {  	p0 =	sne.s32 s17, s5;
	[sflag:s15] =	ssyncset.done $0x0  }
.Ltmp1:
0x40: {  	[sflag:s15] =	ssyncadd.s32 $0xFFFFC000;
	(pc) =	sbr.rel @p0 .LBB2_1-.Ltmp1, $4  }
0x41: {  	[hbm4b:s7+s3] =	stream.linear.scatter [tilespmem:s13], [sflag:$0x3], $0x4000, $0x38;
	[tilespmem:$0x9C00] =	vst v63  }
0x42: {  	_ =	swait.ge [sflag:s10], $0x4000  }
0x43: {  	[sflag:s10] =	ssyncset.done $0x0  }
0x44: {  	[sflag:s10] =	ssyncadd.s32 $0xFFFFC000  }
0x45: {  	_ =	sfence.sel $0x180000  }
0x46: {  	[bflag:$0x0] =	sbarrier.arrive $0xFFFF  }
0x47: {  	p0 =	sne.s32 s0, $0x0;
	_ =	strace $0x90000047  }
0x48: {  	s0 =	sadd.s32 @!p0 $0x100000, s1;
	[bflag:$0x2] =	sbarrier.arrive $0xFFFF  }
0x49: {  	[sflag:s0] =	ssyncadd.tile.s32 @!p0 $0x1;
	_ =	shalt  }
.Lfunc_end2:
_tile_overlayer_lowered:
.L_overlay_start_2:
0x4a: {  	(tag) =	ssettag $0x2  }
0x4b: {  	s0 =	rddreg [dreg:$0x0];
	s2 =	stileid.u32  }
0x4c: {  	s1 =	rddreg [dreg:$0x1];
	p0 =	sne.s32 s2, $0x0  }
0x4d: {  	s3 =	rddreg [dreg:$0x2];
	[bflag:$0x3] =	sbarrier.arrive $0xFFFF;
	s2 =	simm.s32 @!p0 $0x1C03  }
0x4e: {  	[timem:s3], [sflag:s2] =	dma.local @!p0 [hbm:s0], s1  }
0x4f: {  	s0 =	simm.s32 @!p0 $0x3  }
0x50: {  	_ =	swait.ge @!p0 [sflag:s0], s1  }
0x51: {  	s1 =	ssub.s32 @!p0 $0x0, s1;
	[sflag:s0] =	ssyncset.done @!p0 $0x0  }
0x52: {  	[sflag:s0] =	ssyncadd.s32 @!p0 s1  }
0x53: {  	[bflag:$0x3] =	sbarrier.arrive $0xFFFF  }
0x54: {  	_ =	shalt  }

</sc_bundles>
